<compile_context>
chip_gen: v7x
topology: tpu7x:2x2x1
jax: 0.10.2.dev20260603
libtpu: 0.0.44.dev20260713+nightly
codegen_flags: <defaults>
</compile_context>

<pallas_src>
import functools

import jax
import jax.numpy as jnp
from jax import lax
from jax.experimental import pallas as pl
from jax.experimental.pallas import tpu as pltpu
from jax.experimental.pallas import tpu_sc as plsc

NC = 2
NS = 16
L = 16
NW = NC * NS
B = 16384
BPW = B // NW
CHUNK = 128
NCHUNK = BPW // CHUNK


def kernel(user, item, users_emb, items_emb, W, b):
    user2 = user.reshape(NW * NCHUNK, CHUNK)
    item2 = item.reshape(NW * NCHUNK, CHUNK)
    w16 = W.reshape(L)
    bv = jnp.broadcast_to(b, (L,))

    mesh = plsc.VectorSubcoreMesh(core_axis_name="c", subcore_axis_name="s")
    cp = pltpu.CompilerParams(
        needs_layout_passes=False, use_tc_tiling_on_sc=False)

    @functools.partial(
        pl.kernel,
        out_type=jax.ShapeDtypeStruct((B,), jnp.float32),
        mesh=mesh,
        compiler_params=cp,
        scratch_types=[
            pltpu.VMEM((NCHUNK, CHUNK), jnp.int32),
            pltpu.VMEM((NCHUNK, CHUNK), jnp.int32),
            pltpu.VMEM((BPW, L), jnp.float32),
            pltpu.VMEM((BPW, L), jnp.float32),
            pltpu.VMEM((L,), jnp.float32),
            pltpu.VMEM((L,), jnp.float32),
            pltpu.VMEM((BPW,), jnp.float32),
            pltpu.SemaphoreType.DMA,
            pltpu.SemaphoreType.DMA,
        ],
    )
    def sc_kernel(user_hbm, item_hbm, uemb_hbm, iemb_hbm, w_hbm, bv_hbm,
                  out_hbm, idxu_v, idxi_v, eu_v, ei_v, w_v, bv_v, out_v,
                  sem_idx, sem_g):
        wid = lax.axis_index("s") * NC + lax.axis_index("c")
        row0 = wid * NCHUNK

        pltpu.sync_copy(w_hbm, w_v)
        pltpu.sync_copy(bv_hbm, bv_v)

        cu = pltpu.async_copy(user_hbm.at[pl.ds(row0, NCHUNK)], idxu_v, sem_idx)
        ci = pltpu.async_copy(item_hbm.at[pl.ds(row0, NCHUNK)], idxi_v, sem_idx)
        cu.wait()
        ci.wait()

        gathers = []
        for j in range(NCHUNK):
            gathers.append(pltpu.async_copy(
                uemb_hbm.at[idxu_v.at[j]],
                eu_v.at[pl.ds(j * CHUNK, CHUNK)], sem_g))
            gathers.append(pltpu.async_copy(
                iemb_hbm.at[idxi_v.at[j]],
                ei_v.at[pl.ds(j * CHUNK, CHUNK)], sem_g))
        for g in gathers:
            g.wait()

        wreg = w_v[...]
        breg = bv_v[...]
        lanes = lax.iota(jnp.int32, L)

        @pl.loop(0, BPW // L)
        def _(jb):
            r0 = jb * L
            acc = jnp.zeros((L,), jnp.float32)
            for i in range(L):
                p = eu_v[r0 + i, :] * ei_v[r0 + i, :] * wreg
                s = jnp.sum(p)
                acc = jnp.where(lanes == i, s, acc)
            out_v[pl.ds(r0, L)] = acc + breg

        pltpu.sync_copy(out_v, out_hbm.at[pl.ds(wid * BPW, BPW)])

    return sc_kernel(user2, item2, users_emb, items_emb, w16, bv)

# --- scband reference (transcript-rebuilt; emitter-appended) ---
"""Pipeline reference for scband-fed-bso-62277025792578 (READ-ONLY COPY).

The authoritative reference and input builder live on the scoring server;
editing this copy changes nothing except your own understanding.
"""

import jax, jax.numpy as jnp
import numpy as np

NUM_USERS = 1000000
NUM_ITEMS = 1000000
FACTOR = 16
BATCH = 16384


def setup_inputs(seed: int = 0) -> dict:
    key = jax.random.key(seed)
    k1, k2, k3, k4, k5 = jax.random.split(key, 5)
    user = jax.random.randint(k1, (BATCH,), 0, NUM_USERS, dtype=jnp.int32)
    item = jax.random.randint(k2, (BATCH,), 0, NUM_ITEMS, dtype=jnp.int32)
    users_emb = 0.01 * jax.random.normal(k3, (NUM_USERS, FACTOR), dtype=jnp.float32)
    items_emb = 0.01 * jax.random.normal(k4, (NUM_ITEMS, FACTOR), dtype=jnp.float32)
    # nn.Linear(FACTOR, 1) with kaiming_uniform_(a=1): bound = sqrt(6/((1+1^2)*fan_in)) = sqrt(3/fan_in)
    bound = float(np.sqrt(3.0 / FACTOR))
    W = jax.random.uniform(k5, (1, FACTOR), dtype=jnp.float32, minval=-bound, maxval=bound)
    b = jnp.zeros((1,), dtype=jnp.float32)
    return {"user": user, "item": item, "users_emb": users_emb, "items_emb": items_emb, "W": W, "b": b}


def reference(user, item, users_emb, items_emb, W, b):
    # embed_user_GMF = self.users_embeddings(user)
    eu = jnp.take(users_emb, user, axis=0)
    # embed_item_GMF = self.items_embeddings(item)
    ei = jnp.take(items_emb, item, axis=0)
    # output_GMF = embed_user_GMF * embed_item_GMF
    output = eu * ei
    # prediction = self.predict_layer(output_GMF); return prediction.view(-1)
    pred = output @ W.T + b
    return pred.reshape(-1)

if __name__ == "__main__":
    import jax
    _d = setup_inputs()
    print(jax.jit(kernel)(*tuple(_d.values())))

</pallas_src>

<mosaic_0001>
#map = affine_map<(d0, d1) -> (0, 0)>
#map1 = affine_map<(d0, d1) -> (0)>
module attributes {stable_mosaic.version = 14 : i64} {
  func.func @sc_kernel(%arg0: i32, %arg1: i32, %arg2: memref<128x128xi32, #tpu.memory_space<hbm>>, %arg3: memref<128x128xi32, #tpu.memory_space<hbm>>, %arg4: memref<1000000x16xf32, #tpu.memory_space<hbm>>, %arg5: memref<1000000x16xf32, #tpu.memory_space<hbm>>, %arg6: memref<16xf32, #tpu.memory_space<hbm>>, %arg7: memref<16xf32, #tpu.memory_space<hbm>>, %arg8: memref<16384xf32, #tpu.memory_space<hbm>>, %arg9: memref<4x128xi32, #tpu.memory_space<vmem>>, %arg10: memref<4x128xi32, #tpu.memory_space<vmem>>, %arg11: memref<512x16xf32, #tpu.memory_space<vmem>>, %arg12: memref<512x16xf32, #tpu.memory_space<vmem>>, %arg13: memref<16xf32, #tpu.memory_space<vmem>>, %arg14: memref<16xf32, #tpu.memory_space<vmem>>, %arg15: memref<512xf32, #tpu.memory_space<vmem>>, %arg16: memref<!tpu.dma_semaphore, #tpu.memory_space<semaphore_mem>>, %arg17: memref<!tpu.dma_semaphore, #tpu.memory_space<semaphore_mem>>) attributes {dimension_semantics = [#tpu.dimension_semantics<core_parallel>, #tpu.dimension_semantics<subcore_parallel>], iteration_bounds = array<i64: 2, 16>, scalar_prefetch = 0 : i64, scratch_operands = 9 : i64, tpu.core_type = #tpu.core_type<sc_vector_subcore>, window_params = [{transform_indices = #map}, {transform_indices = #map}, {transform_indices = #map}, {transform_indices = #map}, {transform_indices = #map1}, {transform_indices = #map1}, {transform_indices = #map1}]} {
    %mul3A = arith.constant 2 : i32
    %mul3A_0 = arith.muli %arg1, %mul3A : i32
    %add3A = arith.addi %mul3A_0, %arg0 : i32
    %mul3A_1 = arith.constant 4 : i32
    %mul3A_2 = arith.muli %add3A, %mul3A_1 : i32
    "tpu.region"() ({
      %run_scoped3A = tpu.sem_alloc : memref<!tpu.dma_semaphore, #tpu.memory_space<semaphore_mem>>
      tpu.enqueue_dma source(%arg6 : memref<16xf32, #tpu.memory_space<hbm>>) target(%arg13 : memref<16xf32, #tpu.memory_space<vmem>>) target_semaphore(%run_scoped3A : memref<!tpu.dma_semaphore, #tpu.memory_space<semaphore_mem>>)
      tpu.wait_dma2 semaphore(%run_scoped3A : memref<!tpu.dma_semaphore, #tpu.memory_space<semaphore_mem>>) src(%arg6 : memref<16xf32, #tpu.memory_space<hbm>>) dst(%arg13 : memref<16xf32, #tpu.memory_space<vmem>>)
      tpu.yield
    }) : () -> ()
    "tpu.region"() ({
      %run_scoped3A = tpu.sem_alloc : memref<!tpu.dma_semaphore, #tpu.memory_space<semaphore_mem>>
      tpu.enqueue_dma source(%arg7 : memref<16xf32, #tpu.memory_space<hbm>>) target(%arg14 : memref<16xf32, #tpu.memory_space<vmem>>) target_semaphore(%run_scoped3A : memref<!tpu.dma_semaphore, #tpu.memory_space<semaphore_mem>>)
      tpu.wait_dma2 semaphore(%run_scoped3A : memref<!tpu.dma_semaphore, #tpu.memory_space<semaphore_mem>>) src(%arg7 : memref<16xf32, #tpu.memory_space<hbm>>) dst(%arg14 : memref<16xf32, #tpu.memory_space<vmem>>)
      tpu.yield
    }) : () -> ()
    %dma_start3A = arith.constant 0 : i32
    %dma_start3A_3 = tpu.memref_slice %arg2[%mul3A_2, %dma_start3A] : memref<128x128xi32, #tpu.memory_space<hbm>> -> memref<4x128xi32, #tpu.memory_space<hbm>>
    %dma_start3A_4 = arith.constant 0 : i32
    %dma_start3A_5 = tpu.memref_slice %arg2[%mul3A_2, %dma_start3A_4] : memref<128x128xi32, #tpu.memory_space<hbm>> -> memref<4x128xi32, #tpu.memory_space<hbm>>
    tpu.enqueue_dma source(%dma_start3A_5 : memref<4x128xi32, #tpu.memory_space<hbm>>) target(%arg9 : memref<4x128xi32, #tpu.memory_space<vmem>>) target_semaphore(%arg16 : memref<!tpu.dma_semaphore, #tpu.memory_space<semaphore_mem>>)
    %dma_start3A_6 = arith.constant 0 : i32
    %dma_start3A_7 = tpu.memref_slice %arg3[%mul3A_2, %dma_start3A_6] : memref<128x128xi32, #tpu.memory_space<hbm>> -> memref<4x128xi32, #tpu.memory_space<hbm>>
    %dma_start3A_8 = arith.constant 0 : i32
    %dma_start3A_9 = tpu.memref_slice %arg3[%mul3A_2, %dma_start3A_8] : memref<128x128xi32, #tpu.memory_space<hbm>> -> memref<4x128xi32, #tpu.memory_space<hbm>>
    tpu.enqueue_dma source(%dma_start3A_9 : memref<4x128xi32, #tpu.memory_space<hbm>>) target(%arg10 : memref<4x128xi32, #tpu.memory_space<vmem>>) target_semaphore(%arg16 : memref<!tpu.dma_semaphore, #tpu.memory_space<semaphore_mem>>)
    %dma_wait3A = arith.constant 0 : i32
    %dma_wait3A_10 = tpu.memref_slice %arg2[%mul3A_2, %dma_wait3A] : memref<128x128xi32, #tpu.memory_space<hbm>> -> memref<4x128xi32, #tpu.memory_space<hbm>>
    %dma_wait3A_11 = arith.constant 0 : i32
    %dma_wait3A_12 = tpu.memref_slice %arg2[%mul3A_2, %dma_wait3A_11] : memref<128x128xi32, #tpu.memory_space<hbm>> -> memref<4x128xi32, #tpu.memory_space<hbm>>
    tpu.wait_dma2 semaphore(%arg16 : memref<!tpu.dma_semaphore, #tpu.memory_space<semaphore_mem>>) src(%dma_wait3A_12 : memref<4x128xi32, #tpu.memory_space<hbm>>) dst(%arg9 : memref<4x128xi32, #tpu.memory_space<vmem>>)
    %dma_wait3A_13 = arith.constant 0 : i32
    %dma_wait3A_14 = tpu.memref_slice %arg3[%mul3A_2, %dma_wait3A_13] : memref<128x128xi32, #tpu.memory_space<hbm>> -> memref<4x128xi32, #tpu.memory_space<hbm>>
    %dma_wait3A_15 = arith.constant 0 : i32
    %dma_wait3A_16 = tpu.memref_slice %arg3[%mul3A_2, %dma_wait3A_15] : memref<128x128xi32, #tpu.memory_space<hbm>> -> memref<4x128xi32, #tpu.memory_space<hbm>>
    tpu.wait_dma2 semaphore(%arg16 : memref<!tpu.dma_semaphore, #tpu.memory_space<semaphore_mem>>) src(%dma_wait3A_16 : memref<4x128xi32, #tpu.memory_space<hbm>>) dst(%arg10 : memref<4x128xi32, #tpu.memory_space<vmem>>)
    %dma_start3A_17 = arith.constant 0 : i32
    %dma_start3A_18 = arith.constant 0 : i32
    %dma_start3A_19 = arith.constant 0 : i32
    %dma_start3A_20 = tpu.memref_slice %arg11[%dma_start3A_18, %dma_start3A_19] : memref<512x16xf32, #tpu.memory_space<vmem>> -> memref<128x16xf32, #tpu.memory_space<vmem>>
    %dma_start3A_21 = arith.constant 0 : i32
    %dma_start3A_22 = tpu.memref_slice %arg9[%dma_start3A_17, %dma_start3A_21] : memref<4x128xi32, #tpu.memory_space<vmem>> -> memref<1x128xi32, #tpu.memory_space<vmem>>
    %dma_start3A_23 = tpu.memref_squeeze %dma_start3A_22 : memref<1x128xi32, #tpu.memory_space<vmem>> -> memref<128xi32, #tpu.memory_space<vmem>>
    %dma_start3A_24 = arith.constant 0 : i32
    %dma_start3A_25 = arith.constant 0 : i32
    %dma_start3A_26 = tpu.memref_slice %arg4[%dma_start3A_24, %dma_start3A_25] : memref<1000000x16xf32, #tpu.memory_space<hbm>> -> memref<1000000x16xf32, #tpu.memory_space<hbm>>
    tpu.enqueue_indirect_dma source(%dma_start3A_26 : memref<1000000x16xf32, #tpu.memory_space<hbm>>) target(%dma_start3A_20 : memref<128x16xf32, #tpu.memory_space<vmem>>) offsets(%dma_start3A_23 : memref<128xi32, #tpu.memory_space<vmem>>) semaphore(%arg17 : memref<!tpu.dma_semaphore, #tpu.memory_space<semaphore_mem>>)
    %dma_start3A_27 = arith.constant 0 : i32
    %dma_start3A_28 = arith.constant 0 : i32
    %dma_start3A_29 = arith.constant 0 : i32
    %dma_start3A_30 = tpu.memref_slice %arg12[%dma_start3A_28, %dma_start3A_29] : memref<512x16xf32, #tpu.memory_space<vmem>> -> memref<128x16xf32, #tpu.memory_space<vmem>>
    %dma_start3A_31 = arith.constant 0 : i32
    %dma_start3A_32 = tpu.memref_slice %arg10[%dma_start3A_27, %dma_start3A_31] : memref<4x128xi32, #tpu.memory_space<vmem>> -> memref<1x128xi32, #tpu.memory_space<vmem>>
    %dma_start3A_33 = tpu.memref_squeeze %dma_start3A_32 : memref<1x128xi32, #tpu.memory_space<vmem>> -> memref<128xi32, #tpu.memory_space<vmem>>
    %dma_start3A_34 = arith.constant 0 : i32
    %dma_start3A_35 = arith.constant 0 : i32
    %dma_start3A_36 = tpu.memref_slice %arg5[%dma_start3A_34, %dma_start3A_35] : memref<1000000x16xf32, #tpu.memory_space<hbm>> -> memref<1000000x16xf32, #tpu.memory_space<hbm>>
    tpu.enqueue_indirect_dma source(%dma_start3A_36 : memref<1000000x16xf32, #tpu.memory_space<hbm>>) target(%dma_start3A_30 : memref<128x16xf32, #tpu.memory_space<vmem>>) offsets(%dma_start3A_33 : memref<128xi32, #tpu.memory_space<vmem>>) semaphore(%arg17 : memref<!tpu.dma_semaphore, #tpu.memory_space<semaphore_mem>>)
    %dma_start3A_37 = arith.constant 1 : i32
    %dma_start3A_38 = arith.constant 128 : i32
    %dma_start3A_39 = arith.constant 0 : i32
    %dma_start3A_40 = tpu.memref_slice %arg11[%dma_start3A_38, %dma_start3A_39] : memref<512x16xf32, #tpu.memory_space<vmem>> -> memref<128x16xf32, #tpu.memory_space<vmem>>
    %dma_start3A_41 = arith.constant 0 : i32
    %dma_start3A_42 = tpu.memref_slice %arg9[%dma_start3A_37, %dma_start3A_41] : memref<4x128xi32, #tpu.memory_space<vmem>> -> memref<1x128xi32, #tpu.memory_space<vmem>>
    %dma_start3A_43 = tpu.memref_squeeze %dma_start3A_42 : memref<1x128xi32, #tpu.memory_space<vmem>> -> memref<128xi32, #tpu.memory_space<vmem>>
    %dma_start3A_44 = arith.constant 0 : i32
    %dma_start3A_45 = arith.constant 0 : i32
    %dma_start3A_46 = tpu.memref_slice %arg4[%dma_start3A_44, %dma_start3A_45] : memref<1000000x16xf32, #tpu.memory_space<hbm>> -> memref<1000000x16xf32, #tpu.memory_space<hbm>>
    tpu.enqueue_indirect_dma source(%dma_start3A_46 : memref<1000000x16xf32, #tpu.memory_space<hbm>>) target(%dma_start3A_40 : memref<128x16xf32, #tpu.memory_space<vmem>>) offsets(%dma_start3A_43 : memref<128xi32, #tpu.memory_space<vmem>>) semaphore(%arg17 : memref<!tpu.dma_semaphore, #tpu.memory_space<semaphore_mem>>)
    %dma_start3A_47 = arith.constant 1 : i32
    %dma_start3A_48 = arith.constant 128 : i32
    %dma_start3A_49 = arith.constant 0 : i32
    %dma_start3A_50 = tpu.memref_slice %arg12[%dma_start3A_48, %dma_start3A_49] : memref<512x16xf32, #tpu.memory_space<vmem>> -> memref<128x16xf32, #tpu.memory_space<vmem>>
    %dma_start3A_51 = arith.constant 0 : i32
    %dma_start3A_52 = tpu.memref_slice %arg10[%dma_start3A_47, %dma_start3A_51] : memref<4x128xi32, #tpu.memory_space<vmem>> -> memref<1x128xi32, #tpu.memory_space<vmem>>
    %dma_start3A_53 = tpu.memref_squeeze %dma_start3A_52 : memref<1x128xi32, #tpu.memory_space<vmem>> -> memref<128xi32, #tpu.memory_space<vmem>>
    %dma_start3A_54 = arith.constant 0 : i32
    %dma_start3A_55 = arith.constant 0 : i32
    %dma_start3A_56 = tpu.memref_slice %arg5[%dma_start3A_54, %dma_start3A_55] : memref<1000000x16xf32, #tpu.memory_space<hbm>> -> memref<1000000x16xf32, #tpu.memory_space<hbm>>
    tpu.enqueue_indirect_dma source(%dma_start3A_56 : memref<1000000x16xf32, #tpu.memory_space<hbm>>) target(%dma_start3A_50 : memref<128x16xf32, #tpu.memory_space<vmem>>) offsets(%dma_start3A_53 : memref<128xi32, #tpu.memory_space<vmem>>) semaphore(%arg17 : memref<!tpu.dma_semaphore, #tpu.memory_space<semaphore_mem>>)
    %dma_start3A_57 = arith.constant 2 : i32
    %dma_start3A_58 = arith.constant 256 : i32
    %dma_start3A_59 = arith.constant 0 : i32
    %dma_start3A_60 = tpu.memref_slice %arg11[%dma_start3A_58, %dma_start3A_59] : memref<512x16xf32, #tpu.memory_space<vmem>> -> memref<128x16xf32, #tpu.memory_space<vmem>>
    %dma_start3A_61 = arith.constant 0 : i32
    %dma_start3A_62 = tpu.memref_slice %arg9[%dma_start3A_57, %dma_start3A_61] : memref<4x128xi32, #tpu.memory_space<vmem>> -> memref<1x128xi32, #tpu.memory_space<vmem>>
    %dma_start3A_63 = tpu.memref_squeeze %dma_start3A_62 : memref<1x128xi32, #tpu.memory_space<vmem>> -> memref<128xi32, #tpu.memory_space<vmem>>
    %dma_start3A_64 = arith.constant 0 : i32
    %dma_start3A_65 = arith.constant 0 : i32
    %dma_start3A_66 = tpu.memref_slice %arg4[%dma_start3A_64, %dma_start3A_65] : memref<1000000x16xf32, #tpu.memory_space<hbm>> -> memref<1000000x16xf32, #tpu.memory_space<hbm>>
    tpu.enqueue_indirect_dma source(%dma_start3A_66 : memref<1000000x16xf32, #tpu.memory_space<hbm>>) target(%dma_start3A_60 : memref<128x16xf32, #tpu.memory_space<vmem>>) offsets(%dma_start3A_63 : memref<128xi32, #tpu.memory_space<vmem>>) semaphore(%arg17 : memref<!tpu.dma_semaphore, #tpu.memory_space<semaphore_mem>>)
    %dma_start3A_67 = arith.constant 2 : i32
    %dma_start3A_68 = arith.constant 256 : i32
    %dma_start3A_69 = arith.constant 0 : i32
    %dma_start3A_70 = tpu.memref_slice %arg12[%dma_start3A_68, %dma_start3A_69] : memref<512x16xf32, #tpu.memory_space<vmem>> -> memref<128x16xf32, #tpu.memory_space<vmem>>
    %dma_start3A_71 = arith.constant 0 : i32
    %dma_start3A_72 = tpu.memref_slice %arg10[%dma_start3A_67, %dma_start3A_71] : memref<4x128xi32, #tpu.memory_space<vmem>> -> memref<1x128xi32, #tpu.memory_space<vmem>>
    %dma_start3A_73 = tpu.memref_squeeze %dma_start3A_72 : memref<1x128xi32, #tpu.memory_space<vmem>> -> memref<128xi32, #tpu.memory_space<vmem>>
    %dma_start3A_74 = arith.constant 0 : i32
    %dma_start3A_75 = arith.constant 0 : i32
    %dma_start3A_76 = tpu.memref_slice %arg5[%dma_start3A_74, %dma_start3A_75] : memref<1000000x16xf32, #tpu.memory_space<hbm>> -> memref<1000000x16xf32, #tpu.memory_space<hbm>>
    tpu.enqueue_indirect_dma source(%dma_start3A_76 : memref<1000000x16xf32, #tpu.memory_space<hbm>>) target(%dma_start3A_70 : memref<128x16xf32, #tpu.memory_space<vmem>>) offsets(%dma_start3A_73 : memref<128xi32, #tpu.memory_space<vmem>>) semaphore(%arg17 : memref<!tpu.dma_semaphore, #tpu.memory_space<semaphore_mem>>)
    %dma_start3A_77 = arith.constant 3 : i32
    %dma_start3A_78 = arith.constant 384 : i32
    %dma_start3A_79 = arith.constant 0 : i32
    %dma_start3A_80 = tpu.memref_slice %arg11[%dma_start3A_78, %dma_start3A_79] : memref<512x16xf32, #tpu.memory_space<vmem>> -> memref<128x16xf32, #tpu.memory_space<vmem>>
    %dma_start3A_81 = arith.constant 0 : i32
    %dma_start3A_82 = tpu.memref_slice %arg9[%dma_start3A_77, %dma_start3A_81] : memref<4x128xi32, #tpu.memory_space<vmem>> -> memref<1x128xi32, #tpu.memory_space<vmem>>
    %dma_start3A_83 = tpu.memref_squeeze %dma_start3A_82 : memref<1x128xi32, #tpu.memory_space<vmem>> -> memref<128xi32, #tpu.memory_space<vmem>>
    %dma_start3A_84 = arith.constant 0 : i32
    %dma_start3A_85 = arith.constant 0 : i32
    %dma_start3A_86 = tpu.memref_slice %arg4[%dma_start3A_84, %dma_start3A_85] : memref<1000000x16xf32, #tpu.memory_space<hbm>> -> memref<1000000x16xf32, #tpu.memory_space<hbm>>
    tpu.enqueue_indirect_dma source(%dma_start3A_86 : memref<1000000x16xf32, #tpu.memory_space<hbm>>) target(%dma_start3A_80 : memref<128x16xf32, #tpu.memory_space<vmem>>) offsets(%dma_start3A_83 : memref<128xi32, #tpu.memory_space<vmem>>) semaphore(%arg17 : memref<!tpu.dma_semaphore, #tpu.memory_space<semaphore_mem>>)
    %dma_start3A_87 = arith.constant 3 : i32
    %dma_start3A_88 = arith.constant 384 : i32
    %dma_start3A_89 = arith.constant 0 : i32
    %dma_start3A_90 = tpu.memref_slice %arg12[%dma_start3A_88, %dma_start3A_89] : memref<512x16xf32, #tpu.memory_space<vmem>> -> memref<128x16xf32, #tpu.memory_space<vmem>>
    %dma_start3A_91 = arith.constant 0 : i32
    %dma_start3A_92 = tpu.memref_slice %arg10[%dma_start3A_87, %dma_start3A_91] : memref<4x128xi32, #tpu.memory_space<vmem>> -> memref<1x128xi32, #tpu.memory_space<vmem>>
    %dma_start3A_93 = tpu.memref_squeeze %dma_start3A_92 : memref<1x128xi32, #tpu.memory_space<vmem>> -> memref<128xi32, #tpu.memory_space<vmem>>
    %dma_start3A_94 = arith.constant 0 : i32
    %dma_start3A_95 = arith.constant 0 : i32
    %dma_start3A_96 = tpu.memref_slice %arg5[%dma_start3A_94, %dma_start3A_95] : memref<1000000x16xf32, #tpu.memory_space<hbm>> -> memref<1000000x16xf32, #tpu.memory_space<hbm>>
    tpu.enqueue_indirect_dma source(%dma_start3A_96 : memref<1000000x16xf32, #tpu.memory_space<hbm>>) target(%dma_start3A_90 : memref<128x16xf32, #tpu.memory_space<vmem>>) offsets(%dma_start3A_93 : memref<128xi32, #tpu.memory_space<vmem>>) semaphore(%arg17 : memref<!tpu.dma_semaphore, #tpu.memory_space<semaphore_mem>>)
    %dma_wait3A_97 = arith.constant 0 : i32
    %dma_wait3A_98 = arith.constant 0 : i32
    %dma_wait3A_99 = arith.constant 0 : i32
    %dma_wait3A_100 = tpu.memref_slice %arg11[%dma_wait3A_98, %dma_wait3A_99] : memref<512x16xf32, #tpu.memory_space<vmem>> -> memref<128x16xf32, #tpu.memory_space<vmem>>
    %dma_wait3A_101 = arith.constant 0 : i32
    %dma_wait3A_102 = tpu.memref_slice %arg9[%dma_wait3A_97, %dma_wait3A_101] : memref<4x128xi32, #tpu.memory_space<vmem>> -> memref<1x128xi32, #tpu.memory_space<vmem>>
    %dma_wait3A_103 = tpu.memref_squeeze %dma_wait3A_102 : memref<1x128xi32, #tpu.memory_space<vmem>> -> memref<128xi32, #tpu.memory_space<vmem>>
    %dma_wait3A_104 = arith.constant 0 : i32
    %dma_wait3A_105 = arith.constant 0 : i32
    %dma_wait3A_106 = tpu.memref_slice %arg4[%dma_wait3A_104, %dma_wait3A_105] : memref<1000000x16xf32, #tpu.memory_space<hbm>> -> memref<1000000x16xf32, #tpu.memory_space<hbm>>
    tpu.wait_indirect_dma semaphore(%arg17 : memref<!tpu.dma_semaphore, #tpu.memory_space<semaphore_mem>>) src(%dma_wait3A_106 : memref<1000000x16xf32, #tpu.memory_space<hbm>>) dst(%dma_wait3A_100 : memref<128x16xf32, #tpu.memory_space<vmem>>)
    %dma_wait3A_107 = arith.constant 0 : i32
    %dma_wait3A_108 = arith.constant 0 : i32
    %dma_wait3A_109 = arith.constant 0 : i32
    %dma_wait3A_110 = tpu.memref_slice %arg12[%dma_wait3A_108, %dma_wait3A_109] : memref<512x16xf32, #tpu.memory_space<vmem>> -> memref<128x16xf32, #tpu.memory_space<vmem>>
    %dma_wait3A_111 = arith.constant 0 : i32
    %dma_wait3A_112 = tpu.memref_slice %arg10[%dma_wait3A_107, %dma_wait3A_111] : memref<4x128xi32, #tpu.memory_space<vmem>> -> memref<1x128xi32, #tpu.memory_space<vmem>>
    %dma_wait3A_113 = tpu.memref_squeeze %dma_wait3A_112 : memref<1x128xi32, #tpu.memory_space<vmem>> -> memref<128xi32, #tpu.memory_space<vmem>>
    %dma_wait3A_114 = arith.constant 0 : i32
    %dma_wait3A_115 = arith.constant 0 : i32
    %dma_wait3A_116 = tpu.memref_slice %arg5[%dma_wait3A_114, %dma_wait3A_115] : memref<1000000x16xf32, #tpu.memory_space<hbm>> -> memref<1000000x16xf32, #tpu.memory_space<hbm>>
    tpu.wait_indirect_dma semaphore(%arg17 : memref<!tpu.dma_semaphore, #tpu.memory_space<semaphore_mem>>) src(%dma_wait3A_116 : memref<1000000x16xf32, #tpu.memory_space<hbm>>) dst(%dma_wait3A_110 : memref<128x16xf32, #tpu.memory_space<vmem>>)
    %dma_wait3A_117 = arith.constant 1 : i32
    %dma_wait3A_118 = arith.constant 128 : i32
    %dma_wait3A_119 = arith.constant 0 : i32
    %dma_wait3A_120 = tpu.memref_slice %arg11[%dma_wait3A_118, %dma_wait3A_119] : memref<512x16xf32, #tpu.memory_space<vmem>> -> memref<128x16xf32, #tpu.memory_space<vmem>>
    %dma_wait3A_121 = arith.constant 0 : i32
    %dma_wait3A_122 = tpu.memref_slice %arg9[%dma_wait3A_117, %dma_wait3A_121] : memref<4x128xi32, #tpu.memory_space<vmem>> -> memref<1x128xi32, #tpu.memory_space<vmem>>
    %dma_wait3A_123 = tpu.memref_squeeze %dma_wait3A_122 : memref<1x128xi32, #tpu.memory_space<vmem>> -> memref<128xi32, #tpu.memory_space<vmem>>
    %dma_wait3A_124 = arith.constant 0 : i32
    %dma_wait3A_125 = arith.constant 0 : i32
    %dma_wait3A_126 = tpu.memref_slice %arg4[%dma_wait3A_124, %dma_wait3A_125] : memref<1000000x16xf32, #tpu.memory_space<hbm>> -> memref<1000000x16xf32, #tpu.memory_space<hbm>>
    tpu.wait_indirect_dma semaphore(%arg17 : memref<!tpu.dma_semaphore, #tpu.memory_space<semaphore_mem>>) src(%dma_wait3A_126 : memref<1000000x16xf32, #tpu.memory_space<hbm>>) dst(%dma_wait3A_120 : memref<128x16xf32, #tpu.memory_space<vmem>>)
    %dma_wait3A_127 = arith.constant 1 : i32
    %dma_wait3A_128 = arith.constant 128 : i32
    %dma_wait3A_129 = arith.constant 0 : i32
    %dma_wait3A_130 = tpu.memref_slice %arg12[%dma_wait3A_128, %dma_wait3A_129] : memref<512x16xf32, #tpu.memory_space<vmem>> -> memref<128x16xf32, #tpu.memory_space<vmem>>
    %dma_wait3A_131 = arith.constant 0 : i32
    %dma_wait3A_132 = tpu.memref_slice %arg10[%dma_wait3A_127, %dma_wait3A_131] : memref<4x128xi32, #tpu.memory_space<vmem>> -> memref<1x128xi32, #tpu.memory_space<vmem>>
    %dma_wait3A_133 = tpu.memref_squeeze %dma_wait3A_132 : memref<1x128xi32, #tpu.memory_space<vmem>> -> memref<128xi32, #tpu.memory_space<vmem>>
    %dma_wait3A_134 = arith.constant 0 : i32
    %dma_wait3A_135 = arith.constant 0 : i32
    %dma_wait3A_136 = tpu.memref_slice %arg5[%dma_wait3A_134, %dma_wait3A_135] : memref<1000000x16xf32, #tpu.memory_space<hbm>> -> memref<1000000x16xf32, #tpu.memory_space<hbm>>
    tpu.wait_indirect_dma semaphore(%arg17 : memref<!tpu.dma_semaphore, #tpu.memory_space<semaphore_mem>>) src(%dma_wait3A_136 : memref<1000000x16xf32, #tpu.memory_space<hbm>>) dst(%dma_wait3A_130 : memref<128x16xf32, #tpu.memory_space<vmem>>)
    %dma_wait3A_137 = arith.constant 2 : i32
    %dma_wait3A_138 = arith.constant 256 : i32
    %dma_wait3A_139 = arith.constant 0 : i32
    %dma_wait3A_140 = tpu.memref_slice %arg11[%dma_wait3A_138, %dma_wait3A_139] : memref<512x16xf32, #tpu.memory_space<vmem>> -> memref<128x16xf32, #tpu.memory_space<vmem>>
    %dma_wait3A_141 = arith.constant 0 : i32
    %dma_wait3A_142 = tpu.memref_slice %arg9[%dma_wait3A_137, %dma_wait3A_141] : memref<4x128xi32, #tpu.memory_space<vmem>> -> memref<1x128xi32, #tpu.memory_space<vmem>>
    %dma_wait3A_143 = tpu.memref_squeeze %dma_wait3A_142 : memref<1x128xi32, #tpu.memory_space<vmem>> -> memref<128xi32, #tpu.memory_space<vmem>>
    %dma_wait3A_144 = arith.constant 0 : i32
    %dma_wait3A_145 = arith.constant 0 : i32
    %dma_wait3A_146 = tpu.memref_slice %arg4[%dma_wait3A_144, %dma_wait3A_145] : memref<1000000x16xf32, #tpu.memory_space<hbm>> -> memref<1000000x16xf32, #tpu.memory_space<hbm>>
    tpu.wait_indirect_dma semaphore(%arg17 : memref<!tpu.dma_semaphore, #tpu.memory_space<semaphore_mem>>) src(%dma_wait3A_146 : memref<1000000x16xf32, #tpu.memory_space<hbm>>) dst(%dma_wait3A_140 : memref<128x16xf32, #tpu.memory_space<vmem>>)
    %dma_wait3A_147 = arith.constant 2 : i32
    %dma_wait3A_148 = arith.constant 256 : i32
    %dma_wait3A_149 = arith.constant 0 : i32
    %dma_wait3A_150 = tpu.memref_slice %arg12[%dma_wait3A_148, %dma_wait3A_149] : memref<512x16xf32, #tpu.memory_space<vmem>> -> memref<128x16xf32, #tpu.memory_space<vmem>>
    %dma_wait3A_151 = arith.constant 0 : i32
    %dma_wait3A_152 = tpu.memref_slice %arg10[%dma_wait3A_147, %dma_wait3A_151] : memref<4x128xi32, #tpu.memory_space<vmem>> -> memref<1x128xi32, #tpu.memory_space<vmem>>
    %dma_wait3A_153 = tpu.memref_squeeze %dma_wait3A_152 : memref<1x128xi32, #tpu.memory_space<vmem>> -> memref<128xi32, #tpu.memory_space<vmem>>
    %dma_wait3A_154 = arith.constant 0 : i32
    %dma_wait3A_155 = arith.constant 0 : i32
    %dma_wait3A_156 = tpu.memref_slice %arg5[%dma_wait3A_154, %dma_wait3A_155] : memref<1000000x16xf32, #tpu.memory_space<hbm>> -> memref<1000000x16xf32, #tpu.memory_space<hbm>>
    tpu.wait_indirect_dma semaphore(%arg17 : memref<!tpu.dma_semaphore, #tpu.memory_space<semaphore_mem>>) src(%dma_wait3A_156 : memref<1000000x16xf32, #tpu.memory_space<hbm>>) dst(%dma_wait3A_150 : memref<128x16xf32, #tpu.memory_space<vmem>>)
    %dma_wait3A_157 = arith.constant 3 : i32
    %dma_wait3A_158 = arith.constant 384 : i32
    %dma_wait3A_159 = arith.constant 0 : i32
    %dma_wait3A_160 = tpu.memref_slice %arg11[%dma_wait3A_158, %dma_wait3A_159] : memref<512x16xf32, #tpu.memory_space<vmem>> -> memref<128x16xf32, #tpu.memory_space<vmem>>
    %dma_wait3A_161 = arith.constant 0 : i32
    %dma_wait3A_162 = tpu.memref_slice %arg9[%dma_wait3A_157, %dma_wait3A_161] : memref<4x128xi32, #tpu.memory_space<vmem>> -> memref<1x128xi32, #tpu.memory_space<vmem>>
    %dma_wait3A_163 = tpu.memref_squeeze %dma_wait3A_162 : memref<1x128xi32, #tpu.memory_space<vmem>> -> memref<128xi32, #tpu.memory_space<vmem>>
    %dma_wait3A_164 = arith.constant 0 : i32
    %dma_wait3A_165 = arith.constant 0 : i32
    %dma_wait3A_166 = tpu.memref_slice %arg4[%dma_wait3A_164, %dma_wait3A_165] : memref<1000000x16xf32, #tpu.memory_space<hbm>> -> memref<1000000x16xf32, #tpu.memory_space<hbm>>
    tpu.wait_indirect_dma semaphore(%arg17 : memref<!tpu.dma_semaphore, #tpu.memory_space<semaphore_mem>>) src(%dma_wait3A_166 : memref<1000000x16xf32, #tpu.memory_space<hbm>>) dst(%dma_wait3A_160 : memref<128x16xf32, #tpu.memory_space<vmem>>)
    %dma_wait3A_167 = arith.constant 3 : i32
    %dma_wait3A_168 = arith.constant 384 : i32
    %dma_wait3A_169 = arith.constant 0 : i32
    %dma_wait3A_170 = tpu.memref_slice %arg12[%dma_wait3A_168, %dma_wait3A_169] : memref<512x16xf32, #tpu.memory_space<vmem>> -> memref<128x16xf32, #tpu.memory_space<vmem>>
    %dma_wait3A_171 = arith.constant 0 : i32
    %dma_wait3A_172 = tpu.memref_slice %arg10[%dma_wait3A_167, %dma_wait3A_171] : memref<4x128xi32, #tpu.memory_space<vmem>> -> memref<1x128xi32, #tpu.memory_space<vmem>>
    %dma_wait3A_173 = tpu.memref_squeeze %dma_wait3A_172 : memref<1x128xi32, #tpu.memory_space<vmem>> -> memref<128xi32, #tpu.memory_space<vmem>>
    %dma_wait3A_174 = arith.constant 0 : i32
    %dma_wait3A_175 = arith.constant 0 : i32
    %dma_wait3A_176 = tpu.memref_slice %arg5[%dma_wait3A_174, %dma_wait3A_175] : memref<1000000x16xf32, #tpu.memory_space<hbm>> -> memref<1000000x16xf32, #tpu.memory_space<hbm>>
    tpu.wait_indirect_dma semaphore(%arg17 : memref<!tpu.dma_semaphore, #tpu.memory_space<semaphore_mem>>) src(%dma_wait3A_176 : memref<1000000x16xf32, #tpu.memory_space<hbm>>) dst(%dma_wait3A_170 : memref<128x16xf32, #tpu.memory_space<vmem>>)
    %get3A = arith.constant 0 : index
    %get3A_177 = tpu.vector_load %arg13[%get3A] {strides = array<i32>} : memref<16xf32, #tpu.memory_space<vmem>>, vector<16xf32>,
    %get3A_178 = arith.constant 0 : index
    %get3A_179 = tpu.vector_load %arg14[%get3A_178] {strides = array<i32>} : memref<16xf32, #tpu.memory_space<vmem>>, vector<16xf32>,
    %iota3A = tpu.iota {dimensions = array<i32: 0>} : vector<16xi32>
    %scan3A = arith.constant 0 : i32
    %scan3A_180 = arith.constant 32 : i32
    %scan3A_181 = arith.addi %scan3A, %scan3A_180 : i32
    %scan3A_182 = arith.constant 1 : i32
    scf.for %scan3A_186 = %scan3A to %scan3A_181 step %scan3A_182  : i32 {
      %mul3A_187 = arith.constant 1 : i32
      %mul3A_188 = arith.muli %scan3A_186, %mul3A_187 : i32
      %add3A_189 = arith.constant 0 : i32
      %add3A_190 = arith.addi %add3A_189, %mul3A_188 : i32
      %mul3A_191 = arith.constant 16 : i32
      %mul3A_192 = arith.muli %add3A_190, %mul3A_191 : i32
      %broadcast_in_dim3A = arith.constant 0.000000e+00 : f32
      %broadcast_in_dim3A_193 = vector.broadcast %broadcast_in_dim3A : f32 to vector<16xf32>
      %add3A_194 = arith.constant 0 : i32
      %add3A_195 = arith.addi %mul3A_192, %add3A_194 : i32
      %get3A_196 = arith.index_cast %add3A_195 : i32 to index
      %get3A_197 = arith.constant 0 : index
      %get3A_198 = tpu.vector_load %arg11[%get3A_196, %get3A_197] {strides = array<i32>} : memref<512x16xf32, #tpu.memory_space<vmem>>, vector<16xf32>,
      %add3A_199 = arith.constant 0 : i32
      %add3A_200 = arith.addi %mul3A_192, %add3A_199 : i32
      %get3A_201 = arith.index_cast %add3A_200 : i32 to index
      %get3A_202 = arith.constant 0 : index
      %get3A_203 = tpu.vector_load %arg12[%get3A_201, %get3A_202] {strides = array<i32>} : memref<512x16xf32, #tpu.memory_space<vmem>>, vector<16xf32>,
      %mul3A_204 = arith.mulf %get3A_198, %get3A_203 : vector<16xf32>
      %mul3A_205 = arith.mulf %mul3A_204, %get3A_177 : vector<16xf32>
      %reduce_sum3A = arith.constant true
      %reduce_sum3A_206 = vector.broadcast %reduce_sum3A : i1 to vector<16xi1>
      %reduce_sum3A_207 = tpu.scan <sum>, %mul3A_205 masked %reduce_sum3A_206 : vector<16xf32>, vector<16xi1> -> vector<16xf32>
      %reduce_sum3A_208 = vector.extract %reduce_sum3A_207[15] : f32 from vector<16xf32>
      %eq3A = arith.constant 0 : i32
      %eq3A_209 = vector.broadcast %eq3A : i32 to vector<16xi32>
      %eq3A_210 = arith.cmpi eq, %iota3A, %eq3A_209 : vector<16xi32>
      %broadcast_in_dim3A_211 = vector.broadcast %reduce_sum3A_208 : f32 to vector<16xf32>
      %select_n3A = arith.select %eq3A_210, %broadcast_in_dim3A_211, %broadcast_in_dim3A_193 : vector<16xi1>, vector<16xf32>
      %add3A_212 = arith.constant 1 : i32
      %add3A_213 = arith.addi %mul3A_192, %add3A_212 : i32
      %get3A_214 = arith.index_cast %add3A_213 : i32 to index
      %get3A_215 = arith.constant 0 : index
      %get3A_216 = tpu.vector_load %arg11[%get3A_214, %get3A_215] {strides = array<i32>} : memref<512x16xf32, #tpu.memory_space<vmem>>, vector<16xf32>,
      %add3A_217 = arith.constant 1 : i32
      %add3A_218 = arith.addi %mul3A_192, %add3A_217 : i32
      %get3A_219 = arith.index_cast %add3A_218 : i32 to index
      %get3A_220 = arith.constant 0 : index
      %get3A_221 = tpu.vector_load %arg12[%get3A_219, %get3A_220] {strides = array<i32>} : memref<512x16xf32, #tpu.memory_space<vmem>>, vector<16xf32>,
      %mul3A_222 = arith.mulf %get3A_216, %get3A_221 : vector<16xf32>
      %mul3A_223 = arith.mulf %mul3A_222, %get3A_177 : vector<16xf32>
      %reduce_sum3A_224 = arith.constant true
      %reduce_sum3A_225 = vector.broadcast %reduce_sum3A_224 : i1 to vector<16xi1>
      %reduce_sum3A_226 = tpu.scan <sum>, %mul3A_223 masked %reduce_sum3A_225 : vector<16xf32>, vector<16xi1> -> vector<16xf32>
      %reduce_sum3A_227 = vector.extract %reduce_sum3A_226[15] : f32 from vector<16xf32>
      %eq3A_228 = arith.constant 1 : i32
      %eq3A_229 = vector.broadcast %eq3A_228 : i32 to vector<16xi32>
      %eq3A_230 = arith.cmpi eq, %iota3A, %eq3A_229 : vector<16xi32>
      %broadcast_in_dim3A_231 = vector.broadcast %reduce_sum3A_227 : f32 to vector<16xf32>
      %select_n3A_232 = arith.select %eq3A_230, %broadcast_in_dim3A_231, %select_n3A : vector<16xi1>, vector<16xf32>
      %add3A_233 = arith.constant 2 : i32
      %add3A_234 = arith.addi %mul3A_192, %add3A_233 : i32
      %get3A_235 = arith.index_cast %add3A_234 : i32 to index
      %get3A_236 = arith.constant 0 : index
      %get3A_237 = tpu.vector_load %arg11[%get3A_235, %get3A_236] {strides = array<i32>} : memref<512x16xf32, #tpu.memory_space<vmem>>, vector<16xf32>,
      %add3A_238 = arith.constant 2 : i32
      %add3A_239 = arith.addi %mul3A_192, %add3A_238 : i32
      %get3A_240 = arith.index_cast %add3A_239 : i32 to index
      %get3A_241 = arith.constant 0 : index
      %get3A_242 = tpu.vector_load %arg12[%get3A_240, %get3A_241] {strides = array<i32>} : memref<512x16xf32, #tpu.memory_space<vmem>>, vector<16xf32>,
      %mul3A_243 = arith.mulf %get3A_237, %get3A_242 : vector<16xf32>
      %mul3A_244 = arith.mulf %mul3A_243, %get3A_177 : vector<16xf32>
      %reduce_sum3A_245 = arith.constant true
      %reduce_sum3A_246 = vector.broadcast %reduce_sum3A_245 : i1 to vector<16xi1>
      %reduce_sum3A_247 = tpu.scan <sum>, %mul3A_244 masked %reduce_sum3A_246 : vector<16xf32>, vector<16xi1> -> vector<16xf32>
      %reduce_sum3A_248 = vector.extract %reduce_sum3A_247[15] : f32 from vector<16xf32>
      %eq3A_249 = arith.constant 2 : i32
      %eq3A_250 = vector.broadcast %eq3A_249 : i32 to vector<16xi32>
      %eq3A_251 = arith.cmpi eq, %iota3A, %eq3A_250 : vector<16xi32>
      %broadcast_in_dim3A_252 = vector.broadcast %reduce_sum3A_248 : f32 to vector<16xf32>
      %select_n3A_253 = arith.select %eq3A_251, %broadcast_in_dim3A_252, %select_n3A_232 : vector<16xi1>, vector<16xf32>
      %add3A_254 = arith.constant 3 : i32
      %add3A_255 = arith.addi %mul3A_192, %add3A_254 : i32
      %get3A_256 = arith.index_cast %add3A_255 : i32 to index
      %get3A_257 = arith.constant 0 : index
      %get3A_258 = tpu.vector_load %arg11[%get3A_256, %get3A_257] {strides = array<i32>} : memref<512x16xf32, #tpu.memory_space<vmem>>, vector<16xf32>,
      %add3A_259 = arith.constant 3 : i32
      %add3A_260 = arith.addi %mul3A_192, %add3A_259 : i32
      %get3A_261 = arith.index_cast %add3A_260 : i32 to index
      %get3A_262 = arith.constant 0 : index
      %get3A_263 = tpu.vector_load %arg12[%get3A_261, %get3A_262] {strides = array<i32>} : memref<512x16xf32, #tpu.memory_space<vmem>>, vector<16xf32>,
      %mul3A_264 = arith.mulf %get3A_258, %get3A_263 : vector<16xf32>
      %mul3A_265 = arith.mulf %mul3A_264, %get3A_177 : vector<16xf32>
      %reduce_sum3A_266 = arith.constant true
      %reduce_sum3A_267 = vector.broadcast %reduce_sum3A_266 : i1 to vector<16xi1>
      %reduce_sum3A_268 = tpu.scan <sum>, %mul3A_265 masked %reduce_sum3A_267 : vector<16xf32>, vector<16xi1> -> vector<16xf32>
      %reduce_sum3A_269 = vector.extract %reduce_sum3A_268[15] : f32 from vector<16xf32>
      %eq3A_270 = arith.constant 3 : i32
      %eq3A_271 = vector.broadcast %eq3A_270 : i32 to vector<16xi32>
      %eq3A_272 = arith.cmpi eq, %iota3A, %eq3A_271 : vector<16xi32>
      %broadcast_in_dim3A_273 = vector.broadcast %reduce_sum3A_269 : f32 to vector<16xf32>
      %select_n3A_274 = arith.select %eq3A_272, %broadcast_in_dim3A_273, %select_n3A_253 : vector<16xi1>, vector<16xf32>
      %add3A_275 = arith.constant 4 : i32
      %add3A_276 = arith.addi %mul3A_192, %add3A_275 : i32
      %get3A_277 = arith.index_cast %add3A_276 : i32 to index
      %get3A_278 = arith.constant 0 : index
      %get3A_279 = tpu.vector_load %arg11[%get3A_277, %get3A_278] {strides = array<i32>} : memref<512x16xf32, #tpu.memory_space<vmem>>, vector<16xf32>,
      %add3A_280 = arith.constant 4 : i32
      %add3A_281 = arith.addi %mul3A_192, %add3A_280 : i32
      %get3A_282 = arith.index_cast %add3A_281 : i32 to index
      %get3A_283 = arith.constant 0 : index
      %get3A_284 = tpu.vector_load %arg12[%get3A_282, %get3A_283] {strides = array<i32>} : memref<512x16xf32, #tpu.memory_space<vmem>>, vector<16xf32>,
      %mul3A_285 = arith.mulf %get3A_279, %get3A_284 : vector<16xf32>
      %mul3A_286 = arith.mulf %mul3A_285, %get3A_177 : vector<16xf32>
      %reduce_sum3A_287 = arith.constant true
      %reduce_sum3A_288 = vector.broadcast %reduce_sum3A_287 : i1 to vector<16xi1>
      %reduce_sum3A_289 = tpu.scan <sum>, %mul3A_286 masked %reduce_sum3A_288 : vector<16xf32>, vector<16xi1> -> vector<16xf32>
      %reduce_sum3A_290 = vector.extract %reduce_sum3A_289[15] : f32 from vector<16xf32>
      %eq3A_291 = arith.constant 4 : i32
      %eq3A_292 = vector.broadcast %eq3A_291 : i32 to vector<16xi32>
      %eq3A_293 = arith.cmpi eq, %iota3A, %eq3A_292 : vector<16xi32>
      %broadcast_in_dim3A_294 = vector.broadcast %reduce_sum3A_290 : f32 to vector<16xf32>
      %select_n3A_295 = arith.select %eq3A_293, %broadcast_in_dim3A_294, %select_n3A_274 : vector<16xi1>, vector<16xf32>
      %add3A_296 = arith.constant 5 : i32
      %add3A_297 = arith.addi %mul3A_192, %add3A_296 : i32
      %get3A_298 = arith.index_cast %add3A_297 : i32 to index
      %get3A_299 = arith.constant 0 : index
      %get3A_300 = tpu.vector_load %arg11[%get3A_298, %get3A_299] {strides = array<i32>} : memref<512x16xf32, #tpu.memory_space<vmem>>, vector<16xf32>,
      %add3A_301 = arith.constant 5 : i32
      %add3A_302 = arith.addi %mul3A_192, %add3A_301 : i32
      %get3A_303 = arith.index_cast %add3A_302 : i32 to index
      %get3A_304 = arith.constant 0 : index
      %get3A_305 = tpu.vector_load %arg12[%get3A_303, %get3A_304] {strides = array<i32>} : memref<512x16xf32, #tpu.memory_space<vmem>>, vector<16xf32>,
      %mul3A_306 = arith.mulf %get3A_300, %get3A_305 : vector<16xf32>
      %mul3A_307 = arith.mulf %mul3A_306, %get3A_177 : vector<16xf32>
      %reduce_sum3A_308 = arith.constant true
      %reduce_sum3A_309 = vector.broadcast %reduce_sum3A_308 : i1 to vector<16xi1>
      %reduce_sum3A_310 = tpu.scan <sum>, %mul3A_307 masked %reduce_sum3A_309 : vector<16xf32>, vector<16xi1> -> vector<16xf32>
      %reduce_sum3A_311 = vector.extract %reduce_sum3A_310[15] : f32 from vector<16xf32>
      %eq3A_312 = arith.constant 5 : i32
      %eq3A_313 = vector.broadcast %eq3A_312 : i32 to vector<16xi32>
      %eq3A_314 = arith.cmpi eq, %iota3A, %eq3A_313 : vector<16xi32>
      %broadcast_in_dim3A_315 = vector.broadcast %reduce_sum3A_311 : f32 to vector<16xf32>
      %select_n3A_316 = arith.select %eq3A_314, %broadcast_in_dim3A_315, %select_n3A_295 : vector<16xi1>, vector<16xf32>
      %add3A_317 = arith.constant 6 : i32
      %add3A_318 = arith.addi %mul3A_192, %add3A_317 : i32
      %get3A_319 = arith.index_cast %add3A_318 : i32 to index
      %get3A_320 = arith.constant 0 : index
      %get3A_321 = tpu.vector_load %arg11[%get3A_319, %get3A_320] {strides = array<i32>} : memref<512x16xf32, #tpu.memory_space<vmem>>, vector<16xf32>,
      %add3A_322 = arith.constant 6 : i32
      %add3A_323 = arith.addi %mul3A_192, %add3A_322 : i32
      %get3A_324 = arith.index_cast %add3A_323 : i32 to index
      %get3A_325 = arith.constant 0 : index
      %get3A_326 = tpu.vector_load %arg12[%get3A_324, %get3A_325] {strides = array<i32>} : memref<512x16xf32, #tpu.memory_space<vmem>>, vector<16xf32>,
      %mul3A_327 = arith.mulf %get3A_321, %get3A_326 : vector<16xf32>
      %mul3A_328 = arith.mulf %mul3A_327, %get3A_177 : vector<16xf32>
      %reduce_sum3A_329 = arith.constant true
      %reduce_sum3A_330 = vector.broadcast %reduce_sum3A_329 : i1 to vector<16xi1>
      %reduce_sum3A_331 = tpu.scan <sum>, %mul3A_328 masked %reduce_sum3A_330 : vector<16xf32>, vector<16xi1> -> vector<16xf32>
      %reduce_sum3A_332 = vector.extract %reduce_sum3A_331[15] : f32 from vector<16xf32>
      %eq3A_333 = arith.constant 6 : i32
      %eq3A_334 = vector.broadcast %eq3A_333 : i32 to vector<16xi32>
      %eq3A_335 = arith.cmpi eq, %iota3A, %eq3A_334 : vector<16xi32>
      %broadcast_in_dim3A_336 = vector.broadcast %reduce_sum3A_332 : f32 to vector<16xf32>
      %select_n3A_337 = arith.select %eq3A_335, %broadcast_in_dim3A_336, %select_n3A_316 : vector<16xi1>, vector<16xf32>
      %add3A_338 = arith.constant 7 : i32
      %add3A_339 = arith.addi %mul3A_192, %add3A_338 : i32
      %get3A_340 = arith.index_cast %add3A_339 : i32 to index
      %get3A_341 = arith.constant 0 : index
      %get3A_342 = tpu.vector_load %arg11[%get3A_340, %get3A_341] {strides = array<i32>} : memref<512x16xf32, #tpu.memory_space<vmem>>, vector<16xf32>,
      %add3A_343 = arith.constant 7 : i32
      %add3A_344 = arith.addi %mul3A_192, %add3A_343 : i32
      %get3A_345 = arith.index_cast %add3A_344 : i32 to index
      %get3A_346 = arith.constant 0 : index
      %get3A_347 = tpu.vector_load %arg12[%get3A_345, %get3A_346] {strides = array<i32>} : memref<512x16xf32, #tpu.memory_space<vmem>>, vector<16xf32>,
      %mul3A_348 = arith.mulf %get3A_342, %get3A_347 : vector<16xf32>
      %mul3A_349 = arith.mulf %mul3A_348, %get3A_177 : vector<16xf32>
      %reduce_sum3A_350 = arith.constant true
      %reduce_sum3A_351 = vector.broadcast %reduce_sum3A_350 : i1 to vector<16xi1>
      %reduce_sum3A_352 = tpu.scan <sum>, %mul3A_349 masked %reduce_sum3A_351 : vector<16xf32>, vector<16xi1> -> vector<16xf32>
      %reduce_sum3A_353 = vector.extract %reduce_sum3A_352[15] : f32 from vector<16xf32>
      %eq3A_354 = arith.constant 7 : i32
      %eq3A_355 = vector.broadcast %eq3A_354 : i32 to vector<16xi32>
      %eq3A_356 = arith.cmpi eq, %iota3A, %eq3A_355 : vector<16xi32>
      %broadcast_in_dim3A_357 = vector.broadcast %reduce_sum3A_353 : f32 to vector<16xf32>
      %select_n3A_358 = arith.select %eq3A_356, %broadcast_in_dim3A_357, %select_n3A_337 : vector<16xi1>, vector<16xf32>
      %add3A_359 = arith.constant 8 : i32
      %add3A_360 = arith.addi %mul3A_192, %add3A_359 : i32
      %get3A_361 = arith.index_cast %add3A_360 : i32 to index
      %get3A_362 = arith.constant 0 : index
      %get3A_363 = tpu.vector_load %arg11[%get3A_361, %get3A_362] {strides = array<i32>} : memref<512x16xf32, #tpu.memory_space<vmem>>, vector<16xf32>,
      %add3A_364 = arith.constant 8 : i32
      %add3A_365 = arith.addi %mul3A_192, %add3A_364 : i32
      %get3A_366 = arith.index_cast %add3A_365 : i32 to index
      %get3A_367 = arith.constant 0 : index
      %get3A_368 = tpu.vector_load %arg12[%get3A_366, %get3A_367] {strides = array<i32>} : memref<512x16xf32, #tpu.memory_space<vmem>>, vector<16xf32>,
      %mul3A_369 = arith.mulf %get3A_363, %get3A_368 : vector<16xf32>
      %mul3A_370 = arith.mulf %mul3A_369, %get3A_177 : vector<16xf32>
      %reduce_sum3A_371 = arith.constant true
      %reduce_sum3A_372 = vector.broadcast %reduce_sum3A_371 : i1 to vector<16xi1>
      %reduce_sum3A_373 = tpu.scan <sum>, %mul3A_370 masked %reduce_sum3A_372 : vector<16xf32>, vector<16xi1> -> vector<16xf32>
      %reduce_sum3A_374 = vector.extract %reduce_sum3A_373[15] : f32 from vector<16xf32>
      %eq3A_375 = arith.constant 8 : i32
      %eq3A_376 = vector.broadcast %eq3A_375 : i32 to vector<16xi32>
      %eq3A_377 = arith.cmpi eq, %iota3A, %eq3A_376 : vector<16xi32>
      %broadcast_in_dim3A_378 = vector.broadcast %reduce_sum3A_374 : f32 to vector<16xf32>
      %select_n3A_379 = arith.select %eq3A_377, %broadcast_in_dim3A_378, %select_n3A_358 : vector<16xi1>, vector<16xf32>
      %add3A_380 = arith.constant 9 : i32
      %add3A_381 = arith.addi %mul3A_192, %add3A_380 : i32
      %get3A_382 = arith.index_cast %add3A_381 : i32 to index
      %get3A_383 = arith.constant 0 : index
      %get3A_384 = tpu.vector_load %arg11[%get3A_382, %get3A_383] {strides = array<i32>} : memref<512x16xf32, #tpu.memory_space<vmem>>, vector<16xf32>,
      %add3A_385 = arith.constant 9 : i32
      %add3A_386 = arith.addi %mul3A_192, %add3A_385 : i32
      %get3A_387 = arith.index_cast %add3A_386 : i32 to index
      %get3A_388 = arith.constant 0 : index
      %get3A_389 = tpu.vector_load %arg12[%get3A_387, %get3A_388] {strides = array<i32>} : memref<512x16xf32, #tpu.memory_space<vmem>>, vector<16xf32>,
      %mul3A_390 = arith.mulf %get3A_384, %get3A_389 : vector<16xf32>
      %mul3A_391 = arith.mulf %mul3A_390, %get3A_177 : vector<16xf32>
      %reduce_sum3A_392 = arith.constant true
      %reduce_sum3A_393 = vector.broadcast %reduce_sum3A_392 : i1 to vector<16xi1>
      %reduce_sum3A_394 = tpu.scan <sum>, %mul3A_391 masked %reduce_sum3A_393 : vector<16xf32>, vector<16xi1> -> vector<16xf32>
      %reduce_sum3A_395 = vector.extract %reduce_sum3A_394[15] : f32 from vector<16xf32>
      %eq3A_396 = arith.constant 9 : i32
      %eq3A_397 = vector.broadcast %eq3A_396 : i32 to vector<16xi32>
      %eq3A_398 = arith.cmpi eq, %iota3A, %eq3A_397 : vector<16xi32>
      %broadcast_in_dim3A_399 = vector.broadcast %reduce_sum3A_395 : f32 to vector<16xf32>
      %select_n3A_400 = arith.select %eq3A_398, %broadcast_in_dim3A_399, %select_n3A_379 : vector<16xi1>, vector<16xf32>
      %add3A_401 = arith.constant 10 : i32
      %add3A_402 = arith.addi %mul3A_192, %add3A_401 : i32
      %get3A_403 = arith.index_cast %add3A_402 : i32 to index
      %get3A_404 = arith.constant 0 : index
      %get3A_405 = tpu.vector_load %arg11[%get3A_403, %get3A_404] {strides = array<i32>} : memref<512x16xf32, #tpu.memory_space<vmem>>, vector<16xf32>,
      %add3A_406 = arith.constant 10 : i32
      %add3A_407 = arith.addi %mul3A_192, %add3A_406 : i32
      %get3A_408 = arith.index_cast %add3A_407 : i32 to index
      %get3A_409 = arith.constant 0 : index
      %get3A_410 = tpu.vector_load %arg12[%get3A_408, %get3A_409] {strides = array<i32>} : memref<512x16xf32, #tpu.memory_space<vmem>>, vector<16xf32>,
      %mul3A_411 = arith.mulf %get3A_405, %get3A_410 : vector<16xf32>
      %mul3A_412 = arith.mulf %mul3A_411, %get3A_177 : vector<16xf32>
      %reduce_sum3A_413 = arith.constant true
      %reduce_sum3A_414 = vector.broadcast %reduce_sum3A_413 : i1 to vector<16xi1>
      %reduce_sum3A_415 = tpu.scan <sum>, %mul3A_412 masked %reduce_sum3A_414 : vector<16xf32>, vector<16xi1> -> vector<16xf32>
      %reduce_sum3A_416 = vector.extract %reduce_sum3A_415[15] : f32 from vector<16xf32>
      %eq3A_417 = arith.constant 10 : i32
      %eq3A_418 = vector.broadcast %eq3A_417 : i32 to vector<16xi32>
      %eq3A_419 = arith.cmpi eq, %iota3A, %eq3A_418 : vector<16xi32>
      %broadcast_in_dim3A_420 = vector.broadcast %reduce_sum3A_416 : f32 to vector<16xf32>
      %select_n3A_421 = arith.select %eq3A_419, %broadcast_in_dim3A_420, %select_n3A_400 : vector<16xi1>, vector<16xf32>
      %add3A_422 = arith.constant 11 : i32
      %add3A_423 = arith.addi %mul3A_192, %add3A_422 : i32
      %get3A_424 = arith.index_cast %add3A_423 : i32 to index
      %get3A_425 = arith.constant 0 : index
      %get3A_426 = tpu.vector_load %arg11[%get3A_424, %get3A_425] {strides = array<i32>} : memref<512x16xf32, #tpu.memory_space<vmem>>, vector<16xf32>,
      %add3A_427 = arith.constant 11 : i32
      %add3A_428 = arith.addi %mul3A_192, %add3A_427 : i32
      %get3A_429 = arith.index_cast %add3A_428 : i32 to index
      %get3A_430 = arith.constant 0 : index
      %get3A_431 = tpu.vector_load %arg12[%get3A_429, %get3A_430] {strides = array<i32>} : memref<512x16xf32, #tpu.memory_space<vmem>>, vector<16xf32>,
      %mul3A_432 = arith.mulf %get3A_426, %get3A_431 : vector<16xf32>
      %mul3A_433 = arith.mulf %mul3A_432, %get3A_177 : vector<16xf32>
      %reduce_sum3A_434 = arith.constant true
      %reduce_sum3A_435 = vector.broadcast %reduce_sum3A_434 : i1 to vector<16xi1>
      %reduce_sum3A_436 = tpu.scan <sum>, %mul3A_433 masked %reduce_sum3A_435 : vector<16xf32>, vector<16xi1> -> vector<16xf32>
      %reduce_sum3A_437 = vector.extract %reduce_sum3A_436[15] : f32 from vector<16xf32>
      %eq3A_438 = arith.constant 11 : i32
      %eq3A_439 = vector.broadcast %eq3A_438 : i32 to vector<16xi32>
      %eq3A_440 = arith.cmpi eq, %iota3A, %eq3A_439 : vector<16xi32>
      %broadcast_in_dim3A_441 = vector.broadcast %reduce_sum3A_437 : f32 to vector<16xf32>
      %select_n3A_442 = arith.select %eq3A_440, %broadcast_in_dim3A_441, %select_n3A_421 : vector<16xi1>, vector<16xf32>
      %add3A_443 = arith.constant 12 : i32
      %add3A_444 = arith.addi %mul3A_192, %add3A_443 : i32
      %get3A_445 = arith.index_cast %add3A_444 : i32 to index
      %get3A_446 = arith.constant 0 : index
      %get3A_447 = tpu.vector_load %arg11[%get3A_445, %get3A_446] {strides = array<i32>} : memref<512x16xf32, #tpu.memory_space<vmem>>, vector<16xf32>,
      %add3A_448 = arith.constant 12 : i32
      %add3A_449 = arith.addi %mul3A_192, %add3A_448 : i32
      %get3A_450 = arith.index_cast %add3A_449 : i32 to index
      %get3A_451 = arith.constant 0 : index
      %get3A_452 = tpu.vector_load %arg12[%get3A_450, %get3A_451] {strides = array<i32>} : memref<512x16xf32, #tpu.memory_space<vmem>>, vector<16xf32>,
      %mul3A_453 = arith.mulf %get3A_447, %get3A_452 : vector<16xf32>
      %mul3A_454 = arith.mulf %mul3A_453, %get3A_177 : vector<16xf32>
      %reduce_sum3A_455 = arith.constant true
      %reduce_sum3A_456 = vector.broadcast %reduce_sum3A_455 : i1 to vector<16xi1>
      %reduce_sum3A_457 = tpu.scan <sum>, %mul3A_454 masked %reduce_sum3A_456 : vector<16xf32>, vector<16xi1> -> vector<16xf32>
      %reduce_sum3A_458 = vector.extract %reduce_sum3A_457[15] : f32 from vector<16xf32>
      %eq3A_459 = arith.constant 12 : i32
      %eq3A_460 = vector.broadcast %eq3A_459 : i32 to vector<16xi32>
      %eq3A_461 = arith.cmpi eq, %iota3A, %eq3A_460 : vector<16xi32>
      %broadcast_in_dim3A_462 = vector.broadcast %reduce_sum3A_458 : f32 to vector<16xf32>
      %select_n3A_463 = arith.select %eq3A_461, %broadcast_in_dim3A_462, %select_n3A_442 : vector<16xi1>, vector<16xf32>
      %add3A_464 = arith.constant 13 : i32
      %add3A_465 = arith.addi %mul3A_192, %add3A_464 : i32
      %get3A_466 = arith.index_cast %add3A_465 : i32 to index
      %get3A_467 = arith.constant 0 : index
      %get3A_468 = tpu.vector_load %arg11[%get3A_466, %get3A_467] {strides = array<i32>} : memref<512x16xf32, #tpu.memory_space<vmem>>, vector<16xf32>,
      %add3A_469 = arith.constant 13 : i32
      %add3A_470 = arith.addi %mul3A_192, %add3A_469 : i32
      %get3A_471 = arith.index_cast %add3A_470 : i32 to index
      %get3A_472 = arith.constant 0 : index
      %get3A_473 = tpu.vector_load %arg12[%get3A_471, %get3A_472] {strides = array<i32>} : memref<512x16xf32, #tpu.memory_space<vmem>>, vector<16xf32>,
      %mul3A_474 = arith.mulf %get3A_468, %get3A_473 : vector<16xf32>
      %mul3A_475 = arith.mulf %mul3A_474, %get3A_177 : vector<16xf32>
      %reduce_sum3A_476 = arith.constant true
      %reduce_sum3A_477 = vector.broadcast %reduce_sum3A_476 : i1 to vector<16xi1>
      %reduce_sum3A_478 = tpu.scan <sum>, %mul3A_475 masked %reduce_sum3A_477 : vector<16xf32>, vector<16xi1> -> vector<16xf32>
      %reduce_sum3A_479 = vector.extract %reduce_sum3A_478[15] : f32 from vector<16xf32>
      %eq3A_480 = arith.constant 13 : i32
      %eq3A_481 = vector.broadcast %eq3A_480 : i32 to vector<16xi32>
      %eq3A_482 = arith.cmpi eq, %iota3A, %eq3A_481 : vector<16xi32>
      %broadcast_in_dim3A_483 = vector.broadcast %reduce_sum3A_479 : f32 to vector<16xf32>
      %select_n3A_484 = arith.select %eq3A_482, %broadcast_in_dim3A_483, %select_n3A_463 : vector<16xi1>, vector<16xf32>
      %add3A_485 = arith.constant 14 : i32
      %add3A_486 = arith.addi %mul3A_192, %add3A_485 : i32
      %get3A_487 = arith.index_cast %add3A_486 : i32 to index
      %get3A_488 = arith.constant 0 : index
      %get3A_489 = tpu.vector_load %arg11[%get3A_487, %get3A_488] {strides = array<i32>} : memref<512x16xf32, #tpu.memory_space<vmem>>, vector<16xf32>,
      %add3A_490 = arith.constant 14 : i32
      %add3A_491 = arith.addi %mul3A_192, %add3A_490 : i32
      %get3A_492 = arith.index_cast %add3A_491 : i32 to index
      %get3A_493 = arith.constant 0 : index
      %get3A_494 = tpu.vector_load %arg12[%get3A_492, %get3A_493] {strides = array<i32>} : memref<512x16xf32, #tpu.memory_space<vmem>>, vector<16xf32>,
      %mul3A_495 = arith.mulf %get3A_489, %get3A_494 : vector<16xf32>
      %mul3A_496 = arith.mulf %mul3A_495, %get3A_177 : vector<16xf32>
      %reduce_sum3A_497 = arith.constant true
      %reduce_sum3A_498 = vector.broadcast %reduce_sum3A_497 : i1 to vector<16xi1>
      %reduce_sum3A_499 = tpu.scan <sum>, %mul3A_496 masked %reduce_sum3A_498 : vector<16xf32>, vector<16xi1> -> vector<16xf32>
      %reduce_sum3A_500 = vector.extract %reduce_sum3A_499[15] : f32 from vector<16xf32>
      %eq3A_501 = arith.constant 14 : i32
      %eq3A_502 = vector.broadcast %eq3A_501 : i32 to vector<16xi32>
      %eq3A_503 = arith.cmpi eq, %iota3A, %eq3A_502 : vector<16xi32>
      %broadcast_in_dim3A_504 = vector.broadcast %reduce_sum3A_500 : f32 to vector<16xf32>
      %select_n3A_505 = arith.select %eq3A_503, %broadcast_in_dim3A_504, %select_n3A_484 : vector<16xi1>, vector<16xf32>
      %add3A_506 = arith.constant 15 : i32
      %add3A_507 = arith.addi %mul3A_192, %add3A_506 : i32
      %get3A_508 = arith.index_cast %add3A_507 : i32 to index
      %get3A_509 = arith.constant 0 : index
      %get3A_510 = tpu.vector_load %arg11[%get3A_508, %get3A_509] {strides = array<i32>} : memref<512x16xf32, #tpu.memory_space<vmem>>, vector<16xf32>,
      %add3A_511 = arith.constant 15 : i32
      %add3A_512 = arith.addi %mul3A_192, %add3A_511 : i32
      %get3A_513 = arith.index_cast %add3A_512 : i32 to index
      %get3A_514 = arith.constant 0 : index
      %get3A_515 = tpu.vector_load %arg12[%get3A_513, %get3A_514] {strides = array<i32>} : memref<512x16xf32, #tpu.memory_space<vmem>>, vector<16xf32>,
      %mul3A_516 = arith.mulf %get3A_510, %get3A_515 : vector<16xf32>
      %mul3A_517 = arith.mulf %mul3A_516, %get3A_177 : vector<16xf32>
      %reduce_sum3A_518 = arith.constant true
      %reduce_sum3A_519 = vector.broadcast %reduce_sum3A_518 : i1 to vector<16xi1>
      %reduce_sum3A_520 = tpu.scan <sum>, %mul3A_517 masked %reduce_sum3A_519 : vector<16xf32>, vector<16xi1> -> vector<16xf32>
      %reduce_sum3A_521 = vector.extract %reduce_sum3A_520[15] : f32 from vector<16xf32>
      %eq3A_522 = arith.constant 15 : i32
      %eq3A_523 = vector.broadcast %eq3A_522 : i32 to vector<16xi32>
      %eq3A_524 = arith.cmpi eq, %iota3A, %eq3A_523 : vector<16xi32>
      %broadcast_in_dim3A_525 = vector.broadcast %reduce_sum3A_521 : f32 to vector<16xf32>
      %select_n3A_526 = arith.select %eq3A_524, %broadcast_in_dim3A_525, %select_n3A_505 : vector<16xi1>, vector<16xf32>
      %add3A_527 = arith.addf %select_n3A_526, %get3A_179 : vector<16xf32>
      %swap3A = arith.index_cast %mul3A_192 : i32 to index
      %swap3A_528 = tpu.vector_load %arg15[%swap3A] {strides = array<i32>} : memref<512xf32, #tpu.memory_space<vmem>>, vector<16xf32>,
      tpu.vector_store %arg15[%swap3A], %add3A_527 {strides = array<i32>} : memref<512xf32, #tpu.memory_space<vmem>>, vector<16xf32>,
    }
    %scan3A_183 = arith.constant 32 : i32
    %mul3A_184 = arith.constant 512 : i32
    %mul3A_185 = arith.muli %add3A, %mul3A_184 : i32
    "tpu.region"() ({
      %run_scoped3A = tpu.sem_alloc : memref<!tpu.dma_semaphore, #tpu.memory_space<semaphore_mem>>
      %dma_start3A_186 = tpu.memref_slice %arg8[%mul3A_185] : memref<16384xf32, #tpu.memory_space<hbm>> -> memref<512xf32, #tpu.memory_space<hbm>>
      %dma_start3A_187 = tpu.memref_slice %arg8[%mul3A_185] : memref<16384xf32, #tpu.memory_space<hbm>> -> memref<512xf32, #tpu.memory_space<hbm>>
      tpu.enqueue_dma source(%arg15 : memref<512xf32, #tpu.memory_space<vmem>>) target(%dma_start3A_187 : memref<512xf32, #tpu.memory_space<hbm>>) target_semaphore(%run_scoped3A : memref<!tpu.dma_semaphore, #tpu.memory_space<semaphore_mem>>)
      %dma_wait3A_188 = tpu.memref_slice %arg8[%mul3A_185] : memref<16384xf32, #tpu.memory_space<hbm>> -> memref<512xf32, #tpu.memory_space<hbm>>
      %dma_wait3A_189 = tpu.memref_slice %arg8[%mul3A_185] : memref<16384xf32, #tpu.memory_space<hbm>> -> memref<512xf32, #tpu.memory_space<hbm>>
      tpu.wait_dma2 semaphore(%run_scoped3A : memref<!tpu.dma_semaphore, #tpu.memory_space<semaphore_mem>>) src(%arg15 : memref<512xf32, #tpu.memory_space<vmem>>) dst(%dma_wait3A_189 : memref<512xf32, #tpu.memory_space<hbm>>)
      tpu.yield
    }) : () -> ()
    return
  }
}

</mosaic_0001>

<sc_bundles>
// kernel: kernel.3.cloned.1.call-start
scs
__scs_entry_jumppad:
0x0: {  	(pc) =	sbr.rel $0x88, $3  }
0x1: {  	(tag) =	ssettag $0x0;
	lr =	simm.s32 $0x1  }
0x2: {  	[smem:$0x3F9B] =	sst lr;
	_ =	strace $0xD0000000  }
0x3: {  	_ = 	snop  }
0x4: {  	_ = 	snop  }
0x5: {  	_ = 	snop  }
0x6: {  	_ = 	snop  }
0x7: {  	_ = 	snop  }
__scs_overlays_trampoline_lowered:
0x8: {  	[smem:$0x3FAA] =	sst s0  }
0x9: {  	[smem:$0x3FAB] =	sst s1  }
0xa: {  	[smem:$0x3FAC] =	sst s2  }
0xb: {  	[smem:$0x3FAD] =	sst s3  }
0xc: {  	[smem:$0x3FAE] =	sst s4  }
0xd: {  	[smem:$0x3FAF] =	sst s5  }
0xe: {  	[smem:$0x3FB0] =	sst s6  }
0xf: {  	[smem:$0x3FB1] =	sst s7  }
0x10: {  	[smem:$0x3FB2] =	sst s8  }
0x11: {  	[smem:$0x3FB3] =	sst s9;
	s0 =	simm.s32 @!p0 $0x0  }
0x12: {  	s1 =	sld [smem:$0x3F99];
	s0 =	simm.s32 @p0 $0x1  }
0x13: {  	[smem:$0x3FB4] =	sst s0;
	s0 =	simm.s32 @!p1 $0x0  }
0x14: {  	s2 =	sld [smem:$0x3F98];
	s0 =	simm.s32 @p1 $0x1  }
0x15: {  	[smem:$0x3FB5] =	sst s0;
	s0 =	simm.s32 @!p2 $0x0  }
0x16: {  	s3 =	sld [smem:$0x3FDB];
	s0 =	simm.s32 @p2 $0x1  }
0x17: {  	s4 =	simm.s32 $0x1BF5;
	[smem:$0x3FB7] =	sst s0  }
0x18: {  	s0 =	sld [smem:$0x3F9A];
	_ =	swait.ge [sflag:s4], $0x0  }
0x19: {  	s7 =	sld [smem:$0x3F9B]  }
0x1a: {  	s8 =	sadd.s32 $0xFFFFE003, lr  }
0x1b: {  	s9 =	sadd.s32 $0xFFFFFEF7, lr;
	s5 =	simm.s32 $0xFFFFFFFF;
	p2 =	slt.u32 s8, $0xFFFFF086  }
0x1c: {  	p1 =	slt.u32 s9, $0xF7A;
	s5 =	simm.s32 @!p2 $0x0  }
0x1d: {  	s5 =	simm.s32 @p1 $0x1;
	p0 =	seq.s32 s7, s2  }
0x1e: {  	s7 =	smul.u32 @!p0 $0xF7A, s2;
	p2 =	seq.s32 @!p0 s5, $0x0  }
0x1f: {  	s9 =	smul.u32 $0xF7A, s1;
	s8 =	simm.s32 @!p0 $0x1BF5;
	p2 =	por !p2, p0  }
0x20: {  	[sflag:s8] =	ssyncset.s32 @!p0 $0xFFFFF086;
	s6 =	sadd.s32 @!p0 s3, s7;
	s7 =	simm.s32 @!p0 $0x108  }
0x21: {  	s3 =	sadd.s32 s3, s9;
	s6 =	sadd.s32 @!p0 $0x88, s6;
	s7 =	simm.s32 @p2 $0x1082  }
0x22: {  	[simem:s7], [sflag:s8] =	dma.local @!p0 [hbm:s6], $0xF7A  }
0x23: {  	s9 =	sor.u32 $0xD0000000, s2;
	s6 =	simm.s32 $0x108;
	_ =	swait.ge @!p0 [sflag:s8], $0x0  }
0x24: {  	s3 =	sadd.s32 $0x88, s3;
	s6 =	simm.s32 @!p1 $0x1082;
	[sflag:s4] =	ssyncset.s32 $0xFFFFF086  }
0x25: {  	[simem:s6], [sflag:s4] =	dma.local [hbm:s3], $0xF7A  }
0x26: {  	[smem:$0x3F9B] =	sst s1;
	(tag) =	ssettag s2;
	_ =	strace s9  }
0x27: {  	s1 =	sld [smem:$0x3FAB]  }
0x28: {  	s2 =	sld [smem:$0x3FAC]  }
0x29: {  	s4 =	sld [smem:$0x3FAE]  }
0x2a: {  	p0 =	seq.s32 s5, $0x0;
	s5 =	sld [smem:$0x3FAF]  }
0x2b: {  	s6 =	sld [smem:$0x3FB0]  }
0x2c: {  	s7 =	sld [smem:$0x3FB1]  }
0x2d: {  	s3 =	simm.s32 $0x108;
	s8 =	sld [smem:$0x3FB2]  }
0x2e: {  	s3 =	simm.s32 @!p0 $0x1082;
	s9 =	sld [smem:$0x3FB3]  }
0x2f: {  	lr =	sadd.s32 s0, s3;
	s0 =	sld [smem:$0x3FAA]  }
0x30: {  	s3 =	sld [smem:$0x3FAD]  }
0x31: {  	[smem:$0x3FB6] =	sst s10  }
0x32: {  	s10 =	sld [smem:$0x3FB4];
	_ =	sdelay $0x3  }
0x33: {  	p0 =	seq.s32 s10, $0x1;
	s10 =	sld [smem:$0x3FB6];
	_ =	sdelay $0x3  }
0x34: {  	[smem:$0x3FB6] =	sst s10  }
0x35: {  	s10 =	sld [smem:$0x3FB5];
	_ =	sdelay $0x3  }
0x36: {  	p1 =	seq.s32 s10, $0x1;
	s10 =	sld [smem:$0x3FB6];
	_ =	sdelay $0x3  }
0x37: {  	[smem:$0x3FB6] =	sst s10  }
0x38: {  	s10 =	sld [smem:$0x3FB7]  }
0x39: {  	_ = 	snop;
	(pc) =	sbr.ind lr, $3  }
0x3a: {  	_ = 	snop  }
0x3b: {  	_ = 	snop  }
0x3c: {  	p2 =	seq.s32 s10, $0x1;
	s10 =	sld [smem:$0x3FB6]  }
0x3d: {  	_ =	shalt  }
0x3e: {  	_ =	shalt  }
0x3f: {  	_ =	shalt  }
0x40: {  	_ =	shalt  }
0x41: {  	_ =	shalt  }
0x42: {  	_ =	shalt  }
0x43: {  	_ =	shalt  }
0x44: {  	_ =	shalt  }
0x45: {  	_ =	shalt  }
0x46: {  	_ =	shalt  }
0x47: {  	_ =	shalt  }
0x48: {  	_ =	shalt  }
0x49: {  	_ =	shalt  }
0x4a: {  	_ =	shalt  }
0x4b: {  	_ =	shalt  }
0x4c: {  	_ =	shalt  }
0x4d: {  	_ =	shalt  }
0x4e: {  	_ =	shalt  }
0x4f: {  	_ =	shalt  }
0x50: {  	_ =	shalt  }
0x51: {  	_ =	shalt  }
0x52: {  	_ =	shalt  }
0x53: {  	_ =	shalt  }
0x54: {  	_ =	shalt  }
0x55: {  	_ =	shalt  }
0x56: {  	_ =	shalt  }
0x57: {  	_ =	shalt  }
0x58: {  	_ =	shalt  }
0x59: {  	_ =	shalt  }
0x5a: {  	_ =	shalt  }
0x5b: {  	_ =	shalt  }
0x5c: {  	_ =	shalt  }
0x5d: {  	_ =	shalt  }
0x5e: {  	_ =	shalt  }
0x5f: {  	_ =	shalt  }
0x60: {  	_ =	shalt  }
0x61: {  	_ =	shalt  }
0x62: {  	_ =	shalt  }
0x63: {  	_ =	shalt  }
0x64: {  	_ =	shalt  }
0x65: {  	_ =	shalt  }
0x66: {  	_ =	shalt  }
0x67: {  	_ =	shalt  }
0x68: {  	_ =	shalt  }
0x69: {  	_ =	shalt  }
0x6a: {  	_ =	shalt  }
0x6b: {  	_ =	shalt  }
0x6c: {  	_ =	shalt  }
0x6d: {  	_ =	shalt  }
0x6e: {  	_ =	shalt  }
0x6f: {  	_ =	shalt  }
0x70: {  	_ =	shalt  }
0x71: {  	_ =	shalt  }
0x72: {  	_ =	shalt  }
0x73: {  	_ =	shalt  }
0x74: {  	_ =	shalt  }
0x75: {  	_ =	shalt  }
0x76: {  	_ =	shalt  }
0x77: {  	_ =	shalt  }
0x78: {  	_ =	shalt  }
0x79: {  	_ =	shalt  }
0x7a: {  	_ =	shalt  }
0x7b: {  	_ =	shalt  }
0x7c: {  	_ =	shalt  }
0x7d: {  	_ =	shalt  }
0x7e: {  	_ =	shalt  }
0x7f: {  	_ =	shalt  }
0x80: {  	_ =	shalt  }
0x81: {  	_ =	shalt  }
0x82: {  	_ =	shalt  }
0x83: {  	_ =	shalt  }
0x84: {  	_ =	shalt  }
0x85: {  	_ =	shalt  }
0x86: {  	_ =	shalt  }
0x87: {  	_ =	shalt  }
.Lfunc_end0:
.L_simem_size_0:
called_computation_lowered:
.L_overlay_start_0:
0x88: {  	s2 =	sld [smem:$0x3FD9]  }
0x89: {  	s3 =	sld [smem:$0x3FFE];
	_ =	sdelay $0x1  }
0x8a: {  	s1 =	srdreg.scid  }
0x8b: {  	s0 =	sand.u32 $0x1, s1  }
0x8c: {  	s17 =	sshll.u32 s0, $0xA;
	s2 =	sadd.s32 s3, s2  }
0x8d: {  	s2 =	sadd.s32 s2, s17  }
0x8e: {  	[smem:$0x3FC2] =	sst s2  }
0x8f: {  	_ = 	snop  }
0x90: {  	s2 =	sld [smem:$0x3FC9]  }
0x91: {  	s18 =	sld [smem:$0x3FC8]  }
0x92: {  	s4 =	sld [smem:$0x3FC5]  }
0x93: {  	s5 =	sld [smem:$0x3FD0];
	(tm) =	ssettm $0x1  }
0x94: {  	s6 =	sld [smem:$0x3FFB];
	_ =	sdelay $0x3  }
0x95: {  	_ =	strace s6  }
0x96: {  	s6 =	sld [smem:$0x3FFC];
	_ =	sdelay $0x3  }
0x97: {  	_ =	strace s6  }
0x98: {  	s6 =	sld [smem:$0x3FFD];
	_ =	sdelay $0x3  }
0x99: {  	_ =	strace s6  }
0x9a: {  	_ =	strace $0x8FFFFFFF  }
0x9b: {  	s19 =	sld [smem:$0x3FDB];
	_ =	sdelay $0x1  }
0x9c: {  	s7 =	simm.s32 $_scs_section_size  }
0x9d: {  	s8 =	simm.s32 $_size__tile_overlayer_lowered;
	s9 =	simm.s32 $_tile_overlayer_lowered  }
0x9e: {  	s22 =	simm.s32 $0x1BFF;
	s21 =	sshll.u32 s9, $0x1;
	s6 =	sadd.s32 s7, s19  }
0x9f: {  	s10 =	simm.s32 $0x0;
	s20 =	sshll.u32 s8, $0x1;
	s8 =	sadd.s32 s21, s6  }
0xa0: {  	[timem:s10], [sflag:s22] =	dma.local [hbm:s8], s20  }
0xa1: {  	_ =	swait.ge [sflag:s22], s20  }
0xa2: {  	s7 =	ssub.s32 $0x0, s20;
	[sflag:s22] =	ssyncset.done $0x0  }
0xa3: {  	[sflag:s22] =	ssyncadd.s32 s7;
	_ =	sdelay $0x1  }
0xa4: {  	s23 =	simm.s32 $0x1B8B  }
0xa5: {  	_ =	swait.ge [sflag:s23], $0x1  }
0xa6: {  	[sflag:s23] =	ssyncset.done $0x0  }
0xa7: {  	s25 =	simm.s32 $0x1B8E;
	s24 =	sld [smem:$0x3FFE];
	[sflag:s23] =	ssyncadd.s32 $0xFFFFFFFF  }
0xa8: {  	s26 =	simm.s32 $execute0_lowered;
	[smem:$0x3FD2] =	sst s25  }
0xa9: {  	s8 =	sshll.u32 s26, $0x1;
	_ =	strace $0x80000046;
	[dreg:$0x1] =	wrdreg $0xFFFFFFFF  }
0xaa: {  	s28 =	simm.s32 $_size_execute0_lowered;
	s6 =	sadd.s32 s6, s8;
	[dreg:$0x0] =	wrdreg $0x0  }
0xab: {  	s8 =	sshll.u32 s28, $0x1;
	[dreg:$0x2] =	wrdreg s6  }
0xac: {  	[dreg:$0x3] =	wrdreg s8  }
0xad: {  	[dreg:$0x4] =	wrdreg $0xC0  }
0xae: {  	_ =	task [dreg:s10], $0x5FFFF  }
0xaf: {  	[dreg:$0x1] =	wrdreg $0xFFFFFFFF  }
0xb0: {  	[dreg:$0x0] =	wrdreg $0x60  }
0xb1: {  	[dreg:$0x2] =	wrdreg s2  }
0xb2: {  	[dreg:$0x3] =	wrdreg s18  }
0xb3: {  	[dreg:$0x4] =	wrdreg s24  }
0xb4: {  	[dreg:$0x5] =	wrdreg s4  }
0xb5: {  	[dreg:$0x6] =	wrdreg s5  }
0xb6: {  	[dreg:$0x7] =	wrdreg $0x9  }
0xb7: {  	_ =	task.clear_ibuf [dreg:s10], $0x8FFFF;
	_ =	strace $0x90000046  }
0xb8: {  	s29 =	simm.s32 $0x9;
	_ =	strace $0x80000048  }
0xb9: {  	_ =	swait.ge [sflag:s29], $0x1  }
0xba: {  	[sflag:s29] =	ssyncadd.s32 $0xFFFFFFFF  }
0xbb: {  	_ =	strace $0x90000048  }
0xbc: {  	_ =	sfence  }
0xbd: {  	s30 =	sld [smem:$0x0];
	_ =	sdelay $0x2  }
0xbe: {  	s31 =	sshll.u32 s1, $0xD;
	s1 =	sshrl.u32 s1, $0x2  }
0xbf: {  	s3 =	sand.u32 $0x4000, s31;
	s1 =	sadd.s32 s1, s30  }
0xc0: {  	s0 =	sor.u32 s3, s0;
	s1 =	sshll.u32 s1, $0x11  }
0xc1: {  	s0 =	sor.u32 s1, s0  }
0xc2: {  	s0 =	sadd.s32 $0x8F2B, s0  }
0xc3: {  	[sflag:s0] =	ssyncadd.remote.s32 $0x1  }
0xc4: {  	_ =	sfence.sel $0xFFFF  }
0xc5: {  	[dreg:$0x0] =	wrdreg $0xFFFFFFFF;
	(pc) =	sbr.abs _section_cstart, $3  }
0xc6: {  	[dreg:$0x1] =	wrdreg $0xFFFFFFFF  }
0xc7: {  	_ =	task.clear_ibuf [dreg:s10], $0x2FFFF;
	_ =	strace $0x9FFFFFFF  }
0xc8: {  	(tm) =	ssettm $0x7FFFFFFF  }
0xc9: {  	_ =	shalt  }
tec
execute0_lowered:
.L_overlay_start_1:
0x0: {  	(tag) =	ssettag $0x1  }
0x1: {  	s0 =	rddreg [dreg:$0x0]  }
0x2: {  	s1 =	rddreg [dreg:$0x1]  }
0x3: {  	s3 =	rddreg [dreg:$0x2]  }
0x4: {  	s9 =	rddreg [dreg:$0x4]  }
0x5: {  	s2 =	simm.s32 $0x0;
	s6 =	srdreg.scid;
	s8 =	stileid.u32  }
0x6: {  	s12 =	simm.s32 $0x3;
	s14 =	simm.s32 $0x200;
	s15 =	simm.s32 $0x1  }
0x7: {  	s16 =	simm.s32 $0x80;
	s17 =	simm.s32 $0x400;
	s18 =	simm.s32 $0x2400  }
0x8: {  	s19 =	simm.s32 $0xC00;
	s20 =	simm.s32 $0x280;
	s21 =	simm.s32 $0x2C00  }
0x9: {  	s22 =	simm.s32 $0x100;
	s23 =	simm.s32 $0x1400;
	s24 =	simm.s32 $0x300  }
0xa: {  	s25 =	simm.s32 $0x3400;
	s28 =	simm.s32 $0x1C00;
	s29 =	simm.s32 $0x380  }
0xb: {  	s30 =	simm.s32 $0x3C00;
	s31 =	simm.s32 $0x2;
	[smem:$0x7FF] =	sst s2  }
0xc: {  	s4 =	sadd.s32 $0x112AE00, s3;
	s5 =	sadd.s32 $0xF42800, s3;
	s6 =	sand.u32 $0x1, s6  }
0xd: {  	vm0 =	vmmov $0x1;
	vm1 =	vmmov $0x3;
	vm2 =	vmmov $0x7;
	s8 =	sshll.u32 s8, $0x7;
	s7 =	ssub.s32 $0x2, s6;
	s10 =	sshll.u32 s6, $0x6  }
0xe: {  	vm3 =	vmmov $0xf;
	vm4 =	vmmov $0x1f;
	vm5 =	vmmov $0x3f;
	_ =	strace $0x80000047;
	s26 =	sshrl.u32 s7, $0x1;
	s10 =	sor.u32 s10, s8  }
0xf: {  	vm6 =	vmmov $0x7f;
	vm7 =	vmmov $0xff;
	vm8 =	vmmov $0x1ff;
	s6 =	sadd.s32 $0x400, s3;
	s3 =	ssub.s32 s7, s26;
	s7 =	sadd.s32 s0, s10  }
0x10: {  	vm9 =	vmmov $0x3ff;
	vm10 =	vmmov $0x7ff;
	vm11 =	vmmov $0xfff;
	s8 =	sadd.s32 s1, s10;
	s9 =	sadd.s32 s9, s10;
	s26 =	simm.s32 $0x180  }
0x11: {  	vm12 =	vmmov $0x1fff;
	vm13 =	vmmov $0x3fff;
	vm14 =	vmmov $0x7fff;
	s0 =	simm.s32 $0x4420;
	s10 =	smax.u32 s3, $0x1;
	s3 =	simm.s32 $0x0  }
.LBB2_1:
0x12: {  	s1 =	rddreg [dreg:$0x3];
	s11 =	simm.s32 $0x4400  }
0x13: {  	[tilespmem:s11], [sflag:$0x3] =	stream.linear.gather [hbm4b:s1+s2], $0x10, $0x38;
	[tilespmem:$0x4620] =	vst v63  }
0x14: {  	_ =	swait.ge [sflag:s12], $0x10  }
0x15: {  	[sflag:s12] =	ssyncset.done $0x0  }
0x16: {  	s13 =	simm.s32 $0x4410;
	[sflag:s12] =	ssyncadd.s32 $0xFFFFFFF0  }
0x17: {  	[tilespmem:s13], [sflag:$0x3] =	stream.linear.gather [hbm4b:s6+s2], $0x10, $0x38;
	[tilespmem:$0x4620] =	vst v63  }
0x18: {  	_ =	swait.ge [sflag:s12], $0x10  }
0x19: {  	[sflag:s12] =	ssyncset.done $0x0  }
0x1a: {  	[sflag:s12] =	ssyncadd.s32 $0xFFFFFFF0  }
0x1b: {  	[tilespmem:s2], [sflag:$0x1] =	stream.linear.gather [hbm4b:s7+s2], $0x200, $0x38;
	[tilespmem:$0x4620] =	vst v63  }
0x1c: {  	_ = 	snop  }
0x1d: {  	[tilespmem:s14], [sflag:$0x1] =	stream.linear.gather [hbm4b:s8+s2], $0x200, $0x38;
	[tilespmem:$0x4620] =	vst v63  }
0x1e: {  	_ =	swait.ge [sflag:s15], $0x200  }
0x1f: {  	[sflag:s15] =	ssyncset.done $0x0  }
0x20: {  	[sflag:s15] =	ssyncadd.s32 $0xFFFFFE00  }
0x21: {  	_ =	swait.ge [sflag:s15], $0x200  }
0x22: {  	[sflag:s15] =	ssyncset.done $0x0  }
0x23: {  	[sflag:s15] =	ssyncadd.s32 $0xFFFFFE00  }
0x24: {  	[tilespmem:s17], [sflag:$0x2] =	stream.indirect.gather [hbm4b:s4+s16], $0x10, s2, s16, $0xb8;
	[tilespmem:$0x4620] =	vst v63  }
0x25: {  	_ = 	snop  }
0x26: {  	[tilespmem:s18], [sflag:$0x2] =	stream.indirect.gather [hbm4b:s5+s16], $0x10, s14, s16, $0xb8;
	[tilespmem:$0x4620] =	vst v63  }
0x27: {  	_ = 	snop  }
0x28: {  	[tilespmem:s19], [sflag:$0x2] =	stream.indirect.gather [hbm4b:s4+s16], $0x10, s16, s16, $0xb8;
	[tilespmem:$0x4620] =	vst v63  }
0x29: {  	_ = 	snop  }
0x2a: {  	[tilespmem:s21], [sflag:$0x2] =	stream.indirect.gather [hbm4b:s5+s16], $0x10, s20, s16, $0xb8;
	[tilespmem:$0x4620] =	vst v63  }
0x2b: {  	_ = 	snop  }
0x2c: {  	[tilespmem:s23], [sflag:$0x2] =	stream.indirect.gather [hbm4b:s4+s16], $0x10, s22, s16, $0xb8;
	[tilespmem:$0x4620] =	vst v63  }
0x2d: {  	_ = 	snop  }
0x2e: {  	[tilespmem:s25], [sflag:$0x2] =	stream.indirect.gather [hbm4b:s5+s16], $0x10, s24, s16, $0xb8;
	[tilespmem:$0x4620] =	vst v63  }
0x2f: {  	_ = 	snop  }
0x30: {  	[tilespmem:s28], [sflag:$0x2] =	stream.indirect.gather [hbm4b:s4+s16], $0x10, s26, s16, $0xb8;
	[tilespmem:$0x4620] =	vst v63  }
0x31: {  	_ = 	snop  }
0x32: {  	[tilespmem:s30], [sflag:$0x2] =	stream.indirect.gather [hbm4b:s5+s16], $0x10, s29, s16, $0xb8;
	[tilespmem:$0x4620] =	vst v63  }
0x33: {  	_ =	swait.ge [sflag:s31], $0x800  }
0x34: {  	[sflag:s31] =	ssyncset.done $0x0  }
0x35: {  	[sflag:s31] =	ssyncadd.s32 $0xFFFFF800  }
0x36: {  	_ =	swait.ge [sflag:s31], $0x800  }
0x37: {  	[sflag:s31] =	ssyncset.done $0x0  }
0x38: {  	[sflag:s31] =	ssyncadd.s32 $0xFFFFF800  }
0x39: {  	_ =	swait.ge [sflag:s31], $0x800  }
0x3a: {  	[sflag:s31] =	ssyncset.done $0x0  }
0x3b: {  	[sflag:s31] =	ssyncadd.s32 $0xFFFFF800  }
0x3c: {  	_ =	swait.ge [sflag:s31], $0x800  }
0x3d: {  	[sflag:s31] =	ssyncset.done $0x0  }
0x3e: {  	[sflag:s31] =	ssyncadd.s32 $0xFFFFF800  }
0x3f: {  	_ =	swait.ge [sflag:s31], $0x800  }
0x40: {  	[sflag:s31] =	ssyncset.done $0x0  }
0x41: {  	[sflag:s31] =	ssyncadd.s32 $0xFFFFF800  }
0x42: {  	_ =	swait.ge [sflag:s31], $0x800  }
0x43: {  	[sflag:s31] =	ssyncset.done $0x0  }
0x44: {  	[sflag:s31] =	ssyncadd.s32 $0xFFFFF800  }
0x45: {  	_ =	swait.ge [sflag:s31], $0x800  }
0x46: {  	[sflag:s31] =	ssyncset.done $0x0  }
0x47: {  	[sflag:s31] =	ssyncadd.s32 $0xFFFFF800  }
0x48: {  	_ =	swait.ge [sflag:s31], $0x800  }
0x49: {  	[sflag:s31] =	ssyncset.done $0x0  }
0x4a: {  	[sflag:s31] =	ssyncadd.s32 $0xFFFFF800  }
0x4b: {  	v0 =	vld [tilespmem:$0x4400]  }
0x4c: {  	s1 =	simm.s32 $0x4420;
	s11 =	simm.s32 $0x0;
	v1 =	vld [tilespmem:$0x4410]  }
.LBB2_2:
0x4d: {  	s13 =	sshra.s32 s11, $0x2  }
0x4e: {  	v2 =	vld [tilespmem:s13+$0x400]  }
0x4f: {  	v3 =	vld [tilespmem:s13+$0x2400]  }
0x50: {  	v4 =	vld [tilespmem:s13+$0x410]  }
0x51: {  	v5 =	vld [tilespmem:s13+$0x2410]  }
0x52: {  	v6 =	vld [tilespmem:s13+$0x420]  }
0x53: {  	v7 =	vld [tilespmem:s13+$0x2420]  }
0x54: {  	v8 =	vld [tilespmem:s13+$0x430]  }
0x55: {  	v9 =	vld [tilespmem:s13+$0x2430]  }
0x56: {  	v10 =	vld [tilespmem:s13+$0x440]  }
0x57: {  	v11 =	vld [tilespmem:s13+$0x2440]  }
0x58: {  	v12 =	vld [tilespmem:s13+$0x450]  }
0x59: {  	v13 =	vld [tilespmem:s13+$0x2450]  }
0x5a: {  	v14 =	vld [tilespmem:s13+$0x460]  }
0x5b: {  	v15 =	vld [tilespmem:s13+$0x2460]  }
0x5c: {  	v16 =	vld [tilespmem:s13+$0x470]  }
0x5d: {  	v17 =	vld [tilespmem:s13+$0x2470]  }
0x5e: {  	v18 =	vld [tilespmem:s13+$0x480]  }
0x5f: {  	v19 =	vld [tilespmem:s13+$0x2480]  }
0x60: {  	v20 =	vld [tilespmem:s13+$0x490]  }
0x61: {  	v21 =	vld [tilespmem:s13+$0x2490]  }
0x62: {  	v60 =	vld [tilespmem:s13+$0x24A0];
	v2 =	vmul.f32 v3, v2  }
0x63: {  	v61 =	vld [tilespmem:s13+$0x4B0];
	v4 =	vmul.f32 v5, v4  }
0x64: {  	v62 =	vld [tilespmem:s13+$0x24B0];
	v6 =	vmul.f32 v7, v6;
	v2 =	vmul.f32 v2, v0  }
0x65: {  	v22 =	vld [tilespmem:s13+$0x4C0];
	v8 =	vmul.f32 v9, v8;
	v4 =	vmul.f32 v4, v0  }
0x66: {  	v25 =	vld [tilespmem:s13+$0x24C0];
	v63 =	vmul.f32 v11, v10;
	(xrf2) =	vadd.scan.msk.f32 $0xffff, v2;
	v2 =	vmul.f32 v6, v0  }
0x67: {  	v3 =	vld [tilespmem:s13+$0x4A0];
	v24 =	vmul.f32 v13, v12;
	v23 =	vmul.f32 v8, v0;
	(xrf2) =	vadd.scan.msk.f32 $0xffff, v4  }
0x68: {  	v27 =	vld [tilespmem:s13+$0x4D0];
	v26 =	vmul.f32 v15, v14;
	(xrf2) =	vadd.scan.msk.f32 $0xffff, v2;
	v2 =	vmul.f32 v63, v0  }
0x69: {  	v30 =	vld [tilespmem:s13+$0x24D0];
	v29 =	vmul.f32 v17, v16;
	v28 =	vmul.f32 v24, v0;
	(xrf2) =	vadd.scan.msk.f32 $0xffff, v23  }
0x6a: {  	v32 =	vld [tilespmem:s13+$0x4E0];
	v31 =	vmul.f32 v19, v18;
	(xrf2) =	vadd.scan.msk.f32 $0xffff, v2;
	v2 =	vmul.f32 v26, v0  }
0x6b: {  	v35 =	vld [tilespmem:s13+$0x24E0];
	v34 =	vmul.f32 v21, v20;
	v33 =	vmul.f32 v29, v0;
	(xrf2) =	vadd.scan.msk.f32 $0xffff, v28  }
0x6c: {  	(xrf2) =	vadd.scan.msk.f32 $0xffff, v2;
	v2 =	vmul.f32 v60, v3;
	v3 =	vmul.f32 v31, v0  }
0x6d: {  	v37 =	vmul.f32 v62, v61;
	v36 =	vmul.f32 v34, v0;
	(xrf2) =	vadd.scan.msk.f32 $0xffff, v33  }
0x6e: {  	(xrf2) =	vadd.scan.msk.f32 $0xffff, v3;
	v2 =	vmul.f32 v2, v0;
	v3 =	vmul.f32 v25, v22  }
0x6f: {  	v38 =	vld [tilespmem:s13+$0x4F0];
	v41 =	vmul.f32 v30, v27;
	v40 =	vmul.f32 v37, v0;
	(xrf2) =	vadd.scan.msk.f32 $0xffff, v36  }
0x70: {  	v39 =	vld [tilespmem:s13+$0x24F0];
	v42, _, _ =	vpop (xrf2);
	(xrf2) =	vadd.scan.msk.f32 $0xffff, v2;
	v2 =	vmul.f32 v3, v0;
	v3 =	vmul.f32 v35, v32  }
0x71: {  	v43, _, _ =	vpop (xrf2);
	(xrf2) =	vadd.scan.msk.f32 $0xffff, v40  }
0x72: {  	v44 =	vmul.f32 v41, v0;
	v46, _, _ =	vpop (xrf2);
	(xrf2) =	vadd.scan.msk.f32 $0xffff, v2;
	v2 =	vmul.f32 v3, v0  }
0x73: {  	v8 =	vbroadcast v42, $0xF;
	v45 =	vbroadcast v43, $0xF  }
0x74: {  	v48 =	vbroadcast v46, $0xF;
	v3, _, _ =	vpop (xrf2);
	(xrf2) =	vadd.scan.msk.f32 $0xffff, v44  }
0x75: {  	v47 =	vmul.f32 v39, v38;
	v5 =	vsel vm0, v8, v45;
	v3 =	vbroadcast v3, $0xF;
	v49, _, _ =	vpop (xrf2)  }
0x76: {  	(xrf2) =	vadd.scan.msk.f32 $0xffff, v2;
	v5 =	vsel vm1, v5, v48;
	v2, _, _ =	vpop (xrf2);
	v50 =	vbroadcast v49, $0xF  }
0x77: {  	v4 =	vmul.f32 v47, v0;
	v51, _, _ =	vpop (xrf2);
	v3 =	vsel vm2, v5, v3;
	v2 =	vbroadcast v2, $0xF  }
0x78: {  	v3 =	vsel vm3, v3, v50;
	v52 =	vbroadcast v51, $0xF;
	v53, _, _ =	vpop (xrf2)  }
0x79: {  	(xrf2) =	vadd.scan.msk.f32 $0xffff, v4;
	v54, _, _ =	vpop (xrf2);
	v2 =	vsel vm4, v3, v2;
	v3 =	vbroadcast v53, $0xF  }
0x7a: {  	v55, _, _ =	vpop (xrf2);
	v2 =	vsel vm5, v2, v52;
	v4 =	vbroadcast v54, $0xF  }
0x7b: {  	v56, _, _ =	vpop (xrf2);
	v2 =	vsel vm6, v2, v3;
	v3 =	vbroadcast v55, $0xF  }
0x7c: {  	v57, _, _ =	vpop (xrf2);
	v2 =	vsel vm7, v2, v4;
	v58 =	vbroadcast v56, $0xF  }
0x7d: {  	v59, _, _ =	vpop (xrf2);
	v2 =	vsel vm8, v2, v3;
	v3 =	vbroadcast v57, $0xF  }
0x7e: {  	v60, _, _ =	vpop (xrf2);
	v2 =	vsel vm9, v2, v58  }
0x7f: {  	v61 =	vbroadcast v59, $0xF;
	v2 =	vsel vm10, v2, v3;
	v3 =	vbroadcast v60, $0xF  }
0x80: {  	v62, _, _ =	vpop (xrf2)  }
0x81: {  	v2 =	vsel vm11, v2, v61;
	v63 =	vbroadcast v62, $0xF  }
0x82: {  	p0 =	sne.s32 s11, $0x7C00;
	v2 =	vsel vm12, v2, v3  }
.Ltmp0:
0x83: {  	v2 =	vsel vm13, v2, v63;
	v3, _, _ =	vpop (xrf2);
	(pc) =	sbr.rel @p0 .LBB2_2-.Ltmp0, $3  }
0x84: {  	v2 =	vsel vm14, v2, v3  }
0x85: {  	v2 =	vadd.f32 v2, v1;
	_ =	sdelay $0x1  }
0x86: {  	s11 =	sadd.s32 $0x400, s11;
	[tilespmem:s1+$0x0] =	vst v2;
	s1 =	sadd.s32 $0x10, s1  }
0x87: {  	s3 =	sadd.s32 $0x1, s3  }
0x88: {  	p0 =	sne.s32 s3, s10  }
.Ltmp1:
0x89: {  	_ = 	snop;
	(pc) =	sbr.rel @p0 .LBB2_1-.Ltmp1, $4  }
0x8a: {  	[hbm4b:s9+s2] =	stream.linear.scatter [tilespmem:s0], [sflag:$0x3], $0x200, $0x38;
	[tilespmem:$0x4620] =	vst v63  }
0x8b: {  	_ =	swait.ge [sflag:s12], $0x200  }
0x8c: {  	[sflag:s12] =	ssyncset.done $0x0  }
0x8d: {  	[sflag:s12] =	ssyncadd.s32 $0xFFFFFE00  }
0x8e: {  	_ =	sfence.sel $0x180000  }
0x8f: {  	[bflag:$0x0] =	sbarrier.arrive $0xFFFF  }
0x90: {  	_ =	strace $0x90000047  }
0x91: {  	s0 =	stileid.u32;
	[bflag:$0x2] =	sbarrier.arrive $0xFFFF  }
0x92: {  	p0 =	sne.s32 s0, $0x0;
	s0 =	rddreg [dreg:$0x5]  }
0x93: {  	s0 =	sadd.s32 @!p0 $0x100000, s0  }
0x94: {  	[sflag:s0] =	ssyncadd.tile.s32 @!p0 $0x1;
	_ =	shalt  }
.Lfunc_end2:
_tile_overlayer_lowered:
.L_overlay_start_2:
0x95: {  	(tag) =	ssettag $0x2  }
0x96: {  	s0 =	rddreg [dreg:$0x0];
	s2 =	stileid.u32  }
0x97: {  	s1 =	rddreg [dreg:$0x1];
	p0 =	sne.s32 s2, $0x0  }
0x98: {  	s3 =	rddreg [dreg:$0x2];
	[bflag:$0x3] =	sbarrier.arrive $0xFFFF;
	s2 =	simm.s32 @!p0 $0x1C03  }
0x99: {  	[timem:s3], [sflag:s2] =	dma.local @!p0 [hbm:s0], s1  }
0x9a: {  	s0 =	simm.s32 @!p0 $0x3  }
0x9b: {  	_ =	swait.ge @!p0 [sflag:s0], s1  }
0x9c: {  	s1 =	ssub.s32 @!p0 $0x0, s1;
	[sflag:s0] =	ssyncset.done @!p0 $0x0  }
0x9d: {  	[sflag:s0] =	ssyncadd.s32 @!p0 s1  }
0x9e: {  	[bflag:$0x3] =	sbarrier.arrive $0xFFFF  }
0x9f: {  	_ =	shalt  }

</sc_bundles>
